<compile_context>
chip_gen: v7x
topology: tpu7x:2x2x1
jax: 0.10.2.dev20260603
libtpu: 0.0.44.dev20260713+nightly
codegen_flags: <defaults>
</compile_context>

<pallas_src>
import functools

import jax
import jax.numpy as jnp
from jax import lax
from jax.experimental import pallas as pl
from jax.experimental.pallas import tpu as pltpu
from jax.experimental.pallas import tpu_sc as plsc

_N = 10000
_H = 128
_E = 160000

_NC = 2
_NS = 16
_CHUNK = 128
_CPT = 80
_EPAD = _NS * _CPT * _CHUNK
_NPAD_A = 10240
_RPT_Z = _NPAD_A // _NS
_NP1 = 10240
_IPT = _NP1 // _NS
_NCW = 10
_RPT_O = _N // _NCW
_RB = 1000


def _make_sc_agg(with_deg):
    out_type = [jax.ShapeDtypeStruct((_NC, _N, _H), jnp.float32)]
    scratch = [
        pltpu.VMEM_SHARED((_NPAD_A, _H), jnp.float32),
        pltpu.VMEM_SHARED((_NP1,), jnp.float32),
        pltpu.VMEM((_CPT // 2, _CHUNK), jnp.int32),
        pltpu.VMEM((_CPT // 2, _CHUNK), jnp.int32),
        pltpu.VMEM((2, _CHUNK, _H), jnp.float32),
        pltpu.VMEM((_CHUNK,), jnp.float32),
        pltpu.SemaphoreType.DMA,
        pltpu.SemaphoreType.DMA,
        pltpu.SemaphoreType.DMA,
    ]
    if with_deg:
        out_type.append(jax.ShapeDtypeStruct((_NC, _NP1), jnp.float32))

    def body(h_hbm, src_hbm, dst_hbm, zrows_hbm, zdeg_hbm, ones_hbm,
             *rest):
        if with_deg:
            (a_out, deg_out, a_sh, deg_sh, src_v, dst_v, rows_v, ones_v,
             gsem, ssem, dsem) = rest
        else:
            (a_out, a_sh, deg_sh, src_v, dst_v, rows_v, ones_v,
             gsem, ssem, dsem) = rest
        c = lax.axis_index("c")
        s = lax.axis_index("s")

        pltpu.sync_copy(zrows_hbm, rows_v.at[0])
        if with_deg:
            pltpu.sync_copy(ones_hbm, ones_v)

        base_z = s * _RPT_Z

        def _za(i, carry):
            pltpu.sync_copy(rows_v.at[0],
                            a_sh.at[pl.ds(base_z + i * _CHUNK, _CHUNK)])
            return carry

        lax.fori_loop(0, _RPT_Z // _CHUNK, _za, 0)
        if with_deg:
            pltpu.sync_copy(zdeg_hbm.at[pl.ds(s * _IPT, _IPT)],
                            deg_sh.at[pl.ds(s * _IPT, _IPT)])
        plsc.subcore_barrier()

        hcpt = _CPT // 2
        for half in range(2):
            pltpu.sync_copy(
                src_hbm.at[c, pl.ds(s * _CPT + half * hcpt, hcpt)], src_v)
            pltpu.sync_copy(
                dst_hbm.at[c, pl.ds(s * _CPT + half * hcpt, hcpt)], dst_v)
            pltpu.async_copy(h_hbm.at[src_v.at[0]], rows_v.at[0], gsem)

            def _step(j, carry):
                r = lax.rem(j, 2)
                pltpu.make_async_copy(h_hbm.at[pl.ds(0, _CHUNK)],
                                      rows_v.at[r], gsem).wait()
                if with_deg:
                    pltpu.async_copy(ones_v, deg_sh.at[dst_v.at[j]],
                                     dsem, add=True)

                @pl.when(j + 1 < hcpt)
                def _():
                    pltpu.async_copy(h_hbm.at[src_v.at[j + 1]],
                                     rows_v.at[1 - r], gsem)

                if with_deg:
                    pltpu.make_async_copy(zdeg_hbm.at[pl.ds(0, _CHUNK)],
                                          deg_sh.at[pl.ds(0, _CHUNK)],
                                          dsem).wait()
                return carry

            lax.fori_loop(0, hcpt, _step, 0)
        plsc.subcore_barrier()

        @pl.when(s < _NCW)
        def _():
            rb = s * _RPT_O
            pltpu.sync_copy(a_sh.at[pl.ds(rb, _RPT_O)],
                            a_out.at[c, pl.ds(rb, _RPT_O)])

        if with_deg:
            pltpu.sync_copy(deg_sh.at[pl.ds(s * _IPT, _IPT)],
                            deg_out.at[c, pl.ds(s * _IPT, _IPT)])

    return pl.kernel(
        body,
        out_type=tuple(out_type) if with_deg else out_type[0],
        mesh=plsc.VectorSubcoreMesh(core_axis_name="c", subcore_axis_name="s"),
        scratch_types=tuple(scratch),
    )


_sc_agg = _make_sc_agg(True)


def _tc_body(final, a_ref, h_ref, deg_ref, wm_ref, bm_ref, wih_ref, whh_ref,
             bih_ref, bhh_ref, fcw_ref, fcb_ref, ho_ref, go_ref=None):
    i = pl.program_id(0)
    acat = jnp.concatenate([a_ref[0], a_ref[1]], axis=1)
    inc = jnp.dot(acat, wm_ref[...], preferred_element_type=jnp.float32)
    inc = inc + jnp.dot(deg_ref[...], bm_ref[...],
                        preferred_element_type=jnp.float32)
    h = h_ref[...]
    gi = jnp.dot(inc, wih_ref[...], preferred_element_type=jnp.float32) + bih_ref[...]
    gh = jnp.dot(h, whh_ref[...], preferred_element_type=jnp.float32) + bhh_ref[...]
    r = jax.nn.sigmoid(gi[:, :_H] + gh[:, :_H])
    z = jax.nn.sigmoid(gi[:, _H:2 * _H] + gh[:, _H:2 * _H])
    n = jnp.tanh(gi[:, 2 * _H:] + r * gh[:, 2 * _H:])
    hn = (1.0 - z) * n + z * h
    ho_ref[...] = hn
    if final:
        o = jnp.dot(hn, fcw_ref[...], preferred_element_type=jnp.float32) + fcb_ref[...]
        m = jnp.max(o, axis=0, keepdims=True)

        @pl.when(i == 0)
        def _():
            go_ref[...] = m

        @pl.when(i > 0)
        def _():
            go_ref[...] = jnp.maximum(go_ref[...], m)


def _make_tc_step(final):
    in_specs = [
        pl.BlockSpec((_NC, _RB, _H), lambda i: (0, i, 0)),
        pl.BlockSpec((_RB, _H), lambda i: (i, 0)),
        pl.BlockSpec((_RB, 8), lambda i: (i, 0)),
        pl.BlockSpec((2 * _H, _H), lambda i: (0, 0)),
        pl.BlockSpec((8, _H), lambda i: (0, 0)),
        pl.BlockSpec((_H, 3 * _H), lambda i: (0, 0)),
        pl.BlockSpec((_H, 3 * _H), lambda i: (0, 0)),
        pl.BlockSpec((1, 3 * _H), lambda i: (0, 0)),
        pl.BlockSpec((1, 3 * _H), lambda i: (0, 0)),
        pl.BlockSpec((_H, _H), lambda i: (0, 0)),
        pl.BlockSpec((1, _H), lambda i: (0, 0)),
    ]
    out_specs = pl.BlockSpec((_RB, _H), lambda i: (i, 0))
    out_shape = jax.ShapeDtypeStruct((_N, _H), jnp.float32)
    if final:
        out_specs = [out_specs, pl.BlockSpec((1, _H), lambda i: (0, 0))]
        out_shape = [out_shape, jax.ShapeDtypeStruct((1, _H), jnp.float32)]
    return pl.pallas_call(
        functools.partial(_tc_body, final),
        grid=(_N // _RB,),
        in_specs=in_specs,
        out_specs=out_specs,
        out_shape=out_shape,
    )


_tc_step_mid = _make_tc_step(False)
_tc_step_fin = _make_tc_step(True)


def kernel(initial_node_representation, adjacency_list_0, adjacency_list_1,
           W_msg_0_0, b_msg_0_0, W_msg_0_1, b_msg_0_1,
           W_ih_0, W_hh_0, b_ih_0, b_hh_0, fc_W, fc_b):
    def prep(adj):
        src = adj[:, 0].astype(jnp.int32)
        dst = adj[:, 1].astype(jnp.int32)
        src = jnp.concatenate([src, jnp.zeros((_EPAD - _E,), jnp.int32)])
        dst = jnp.concatenate([dst, jnp.full((_EPAD - _E,), _N, jnp.int32)])
        return src.reshape(_NS * _CPT, _CHUNK), dst.reshape(_NS * _CPT, _CHUNK)

    s0, d0 = prep(adjacency_list_0)
    s1, d1 = prep(adjacency_list_1)
    src = jnp.stack([s0, s1])
    dst = jnp.stack([d0, d1])

    zrows = jnp.zeros((_CHUNK, _H), jnp.float32)
    zdeg = jnp.zeros((_NP1,), jnp.float32)
    ones = jnp.ones((_CHUNK,), jnp.float32)

    wm = jnp.concatenate([W_msg_0_0.T, W_msg_0_1.T], axis=0)
    bm = jnp.zeros((8, _H), jnp.float32).at[0].set(b_msg_0_0).at[1].set(b_msg_0_1)
    wih = W_ih_0.T
    whh = W_hh_0.T
    bih = b_ih_0[None, :]
    bhh = b_hh_0[None, :]
    fcw = fc_W.T
    fcb = fc_b[None, :]

    h = initial_node_representation
    a, deg = _sc_agg(h, src, dst, zrows, zdeg, ones)
    deg8 = jnp.concatenate(
        [deg[0, :_N, None], deg[1, :_N, None],
         jnp.zeros((_N, 6), jnp.float32)], axis=1)
    h = _tc_step_mid(a, h, deg8, wm, bm, wih, whh, bih, bhh, fcw, fcb)
    a, _ = _sc_agg(h, src, dst, zrows, zdeg, ones)
    h, g = _tc_step_fin(a, h, deg8, wm, bm, wih, whh, bih, bhh, fcw, fcb)
    return g[0]

# --- scband reference (transcript-rebuilt; emitter-appended) ---
"""Pipeline reference for scband-ggnn-encoder-1159641169925 (READ-ONLY COPY).

The authoritative reference and input builder live on the scoring server;
editing this copy changes nothing except your own understanding.
"""

import jax, jax.numpy as jnp
import numpy as np

N = 10000
H = 128
E = 160000


def setup_inputs(seed: int = 0) -> dict:
    key = jax.random.key(seed)
    ks = jax.random.split(key, 13)
    s = 1.0 / np.sqrt(H)
    inp = {}
    inp["initial_node_representation"] = jax.random.normal(ks[0], (N, H), dtype=jnp.float32)
    inp["adjacency_list_0"] = jax.random.randint(ks[1], (E, 2), 0, N, dtype=jnp.int64 if jax.config.read('jax_enable_x64') else jnp.int32)
    inp["adjacency_list_1"] = jax.random.randint(ks[2], (E, 2), 0, N, dtype=jnp.int64 if jax.config.read('jax_enable_x64') else jnp.int32)
    inp["W_msg_0_0"] = jax.random.uniform(ks[3], (H, H), jnp.float32, -s, s)
    inp["b_msg_0_0"] = jax.random.uniform(ks[4], (H,), jnp.float32, -s, s)
    inp["W_msg_0_1"] = jax.random.uniform(ks[5], (H, H), jnp.float32, -s, s)
    inp["b_msg_0_1"] = jax.random.uniform(ks[6], (H,), jnp.float32, -s, s)
    inp["W_ih_0"] = jax.random.uniform(ks[7], (3 * H, H), jnp.float32, -s, s)
    inp["W_hh_0"] = jax.random.uniform(ks[8], (3 * H, H), jnp.float32, -s, s)
    inp["b_ih_0"] = jax.random.uniform(ks[9], (3 * H,), jnp.float32, -s, s)
    inp["b_hh_0"] = jax.random.uniform(ks[10], (3 * H,), jnp.float32, -s, s)
    inp["fc_W"] = jax.random.uniform(ks[11], (H, H), jnp.float32, -s, s)
    inp["fc_b"] = jax.random.uniform(ks[12], (H,), jnp.float32, -s, s)
    return inp


def _gru_cell(x, h, W_ih, W_hh, b_ih, b_hh):
    gi = x @ W_ih.T + b_ih
    gh = h @ W_hh.T + b_hh
    i_r, i_z, i_n = jnp.split(gi, 3, axis=-1)
    h_r, h_z, h_n = jnp.split(gh, 3, axis=-1)
    r = jax.nn.sigmoid(i_r + h_r)
    z = jax.nn.sigmoid(i_z + h_z)
    n = jnp.tanh(i_n + r * h_n)
    return (1.0 - z) * n + z * h


def reference(initial_node_representation, adjacency_list_0, adjacency_list_1,
              W_msg_0_0, b_msg_0_0, W_msg_0_1, b_msg_0_1,
              W_ih_0, W_hh_0, b_ih_0, b_hh_0, fc_W, fc_b):
    # eval mode: all dropouts are identity
    node_num = initial_node_representation.shape[0]
    message_targets = jnp.concatenate([adjacency_list_0[:, 1], adjacency_list_1[:, 1]], axis=0)
    h = initial_node_representation
    layer_timesteps = [2]
    for layer_idx, num_timesteps in enumerate(layer_timesteps):
        for t in range(num_timesteps):
            msgs = []
            for adj, W, b in ((adjacency_list_0, W_msg_0_0, b_msg_0_0),
                              (adjacency_list_1, W_msg_0_1, b_msg_0_1)):
                edge_sources = adj[:, 0]
                edge_source_states = h[edge_sources]
                msgs.append(edge_source_states @ W.T + b)
            messages = jnp.concatenate(msgs, axis=0)
            incoming = jnp.zeros((node_num, messages.shape[1]), dtype=messages.dtype)
            incoming = incoming.at[message_targets].add(messages)
            h = _gru_cell(incoming, h, W_ih_0, W_hh_0, b_ih_0, b_hh_0)
    out = h @ fc_W.T + fc_b
    graph_repr = jnp.max(out, axis=0)
    return graph_repr

if __name__ == "__main__":
    import jax
    _d = setup_inputs()
    print(jax.jit(kernel)(*tuple(_d.values())))

</pallas_src>

<mosaic_0001>
#map = affine_map<(d0, d1) -> (0, 0)>
#map1 = affine_map<(d0, d1) -> (0, 0, 0)>
#map2 = affine_map<(d0, d1) -> (0)>
module attributes {stable_mosaic.version = 14 : i64} {
  func.func @body(%arg0: i32, %arg1: i32, %arg2: memref<10000x128xf32, #tpu.memory_space<hbm>>, %arg3: memref<2x1280x128xi32, #tpu.memory_space<hbm>>, %arg4: memref<2x1280x128xi32, #tpu.memory_space<hbm>>, %arg5: memref<128x128xf32, #tpu.memory_space<hbm>>, %arg6: memref<10240xf32, #tpu.memory_space<hbm>>, %arg7: memref<128xf32, #tpu.memory_space<hbm>>, %arg8: memref<2x10000x128xf32, #tpu.memory_space<hbm>>, %arg9: memref<2x10240xf32, #tpu.memory_space<hbm>>, %arg10: memref<10240x128xf32, #tpu.memory_space<vmem_shared>>, %arg11: memref<10240xf32, #tpu.memory_space<vmem_shared>>, %arg12: memref<40x128xi32, #tpu.memory_space<vmem>>, %arg13: memref<40x128xi32, #tpu.memory_space<vmem>>, %arg14: memref<2x128x128xf32, #tpu.memory_space<vmem>>, %arg15: memref<128xf32, #tpu.memory_space<vmem>>, %arg16: memref<!tpu.dma_semaphore, #tpu.memory_space<semaphore_mem>>, %arg17: memref<!tpu.dma_semaphore, #tpu.memory_space<semaphore_mem>>, %arg18: memref<!tpu.dma_semaphore, #tpu.memory_space<semaphore_mem>>) attributes {dimension_semantics = [#tpu.dimension_semantics<core_parallel>, #tpu.dimension_semantics<subcore_parallel>], iteration_bounds = array<i64: 2, 16>, scalar_prefetch = 0 : i64, scratch_operands = 9 : i64, tpu.core_type = #tpu.core_type<sc_vector_subcore>, window_params = [{transform_indices = #map}, {transform_indices = #map1}, {transform_indices = #map1}, {transform_indices = #map}, {transform_indices = #map2}, {transform_indices = #map2}, {transform_indices = #map1}, {transform_indices = #map}]} {
    %run_scoped3A = arith.constant 0 : i32
    "tpu.region"() ({
      %run_scoped3A_67 = tpu.sem_alloc : memref<!tpu.dma_semaphore, #tpu.memory_space<semaphore_mem>>
      %dma_start3A_68 = arith.constant 0 : i32
      %dma_start3A_69 = arith.constant 0 : i32
      %dma_start3A_70 = tpu.memref_slice %arg14[%run_scoped3A, %dma_start3A_68, %dma_start3A_69] : memref<2x128x128xf32, #tpu.memory_space<vmem>> -> memref<1x128x128xf32, #tpu.memory_space<vmem>>
      %dma_start3A_71 = tpu.memref_squeeze %dma_start3A_70 : memref<1x128x128xf32, #tpu.memory_space<vmem>> -> memref<128x128xf32, #tpu.memory_space<vmem>>
      %dma_start3A_72 = arith.constant 0 : i32
      %dma_start3A_73 = arith.constant 0 : i32
      %dma_start3A_74 = tpu.memref_slice %arg14[%run_scoped3A, %dma_start3A_72, %dma_start3A_73] : memref<2x128x128xf32, #tpu.memory_space<vmem>> -> memref<1x128x128xf32, #tpu.memory_space<vmem>>
      %dma_start3A_75 = tpu.memref_squeeze %dma_start3A_74 : memref<1x128x128xf32, #tpu.memory_space<vmem>> -> memref<128x128xf32, #tpu.memory_space<vmem>>
      tpu.enqueue_dma source(%arg5 : memref<128x128xf32, #tpu.memory_space<hbm>>) target(%dma_start3A_75 : memref<128x128xf32, #tpu.memory_space<vmem>>) target_semaphore(%run_scoped3A_67 : memref<!tpu.dma_semaphore, #tpu.memory_space<semaphore_mem>>)
      %dma_wait3A = arith.constant 0 : i32
      %dma_wait3A_76 = arith.constant 0 : i32
      %dma_wait3A_77 = tpu.memref_slice %arg14[%run_scoped3A, %dma_wait3A, %dma_wait3A_76] : memref<2x128x128xf32, #tpu.memory_space<vmem>> -> memref<1x128x128xf32, #tpu.memory_space<vmem>>
      %dma_wait3A_78 = tpu.memref_squeeze %dma_wait3A_77 : memref<1x128x128xf32, #tpu.memory_space<vmem>> -> memref<128x128xf32, #tpu.memory_space<vmem>>
      %dma_wait3A_79 = arith.constant 0 : i32
      %dma_wait3A_80 = arith.constant 0 : i32
      %dma_wait3A_81 = tpu.memref_slice %arg14[%run_scoped3A, %dma_wait3A_79, %dma_wait3A_80] : memref<2x128x128xf32, #tpu.memory_space<vmem>> -> memref<1x128x128xf32, #tpu.memory_space<vmem>>
      %dma_wait3A_82 = tpu.memref_squeeze %dma_wait3A_81 : memref<1x128x128xf32, #tpu.memory_space<vmem>> -> memref<128x128xf32, #tpu.memory_space<vmem>>
      tpu.wait_dma2 semaphore(%run_scoped3A_67 : memref<!tpu.dma_semaphore, #tpu.memory_space<semaphore_mem>>) src(%arg5 : memref<128x128xf32, #tpu.memory_space<hbm>>) dst(%dma_wait3A_82 : memref<128x128xf32, #tpu.memory_space<vmem>>)
      tpu.yield
    }) : () -> ()
    "tpu.region"() ({
      %run_scoped3A_67 = tpu.sem_alloc : memref<!tpu.dma_semaphore, #tpu.memory_space<semaphore_mem>>
      tpu.enqueue_dma source(%arg7 : memref<128xf32, #tpu.memory_space<hbm>>) target(%arg15 : memref<128xf32, #tpu.memory_space<vmem>>) target_semaphore(%run_scoped3A_67 : memref<!tpu.dma_semaphore, #tpu.memory_space<semaphore_mem>>)
      tpu.wait_dma2 semaphore(%run_scoped3A_67 : memref<!tpu.dma_semaphore, #tpu.memory_space<semaphore_mem>>) src(%arg7 : memref<128xf32, #tpu.memory_space<hbm>>) dst(%arg15 : memref<128xf32, #tpu.memory_space<vmem>>)
      tpu.yield
    }) : () -> ()
    %mul3A = arith.constant 640 : i32
    %mul3A_0 = arith.muli %arg1, %mul3A : i32
    %scan3A = arith.constant 0 : i32
    %scan3A_1 = arith.constant 0 : i32
    %scan3A_2 = arith.constant 5 : i32
    %scan3A_3 = arith.addi %scan3A_1, %scan3A_2 : i32
    %scan3A_4 = arith.constant 1 : i32
    scf.for %scan3A_67 = %scan3A_1 to %scan3A_3 step %scan3A_4  : i32 {
      %mul3A_68 = arith.constant 128 : i32
      %mul3A_69 = arith.muli %scan3A_67, %mul3A_68 : i32
      %add3A_70 = arith.addi %mul3A_0, %mul3A_69 : i32
      %run_scoped3A_71 = arith.constant 0 : i32
      "tpu.region"() ({
        %run_scoped3A_72 = tpu.sem_alloc : memref<!tpu.dma_semaphore, #tpu.memory_space<semaphore_mem>>
        %dma_start3A_73 = arith.constant 0 : i32
        %dma_start3A_74 = arith.constant 0 : i32
        %dma_start3A_75 = tpu.memref_slice %arg14[%run_scoped3A_71, %dma_start3A_73, %dma_start3A_74] : memref<2x128x128xf32, #tpu.memory_space<vmem>> -> memref<1x128x128xf32, #tpu.memory_space<vmem>>
        %dma_start3A_76 = tpu.memref_squeeze %dma_start3A_75 : memref<1x128x128xf32, #tpu.memory_space<vmem>> -> memref<128x128xf32, #tpu.memory_space<vmem>>
        %dma_start3A_77 = arith.constant 0 : i32
        %dma_start3A_78 = tpu.memref_slice %arg10[%add3A_70, %dma_start3A_77] : memref<10240x128xf32, #tpu.memory_space<vmem_shared>> -> memref<128x128xf32, #tpu.memory_space<vmem_shared>>
        %dma_start3A_79 = arith.constant 0 : i32
        %dma_start3A_80 = tpu.memref_slice %arg10[%add3A_70, %dma_start3A_79] : memref<10240x128xf32, #tpu.memory_space<vmem_shared>> -> memref<128x128xf32, #tpu.memory_space<vmem_shared>>
        %dma_start3A_81 = arith.constant 0 : i32
        %dma_start3A_82 = arith.constant 0 : i32
        %dma_start3A_83 = tpu.memref_slice %arg14[%run_scoped3A_71, %dma_start3A_81, %dma_start3A_82] : memref<2x128x128xf32, #tpu.memory_space<vmem>> -> memref<1x128x128xf32, #tpu.memory_space<vmem>>
        %dma_start3A_84 = tpu.memref_squeeze %dma_start3A_83 : memref<1x128x128xf32, #tpu.memory_space<vmem>> -> memref<128x128xf32, #tpu.memory_space<vmem>>
        tpu.enqueue_dma source(%dma_start3A_84 : memref<128x128xf32, #tpu.memory_space<vmem>>) target(%dma_start3A_80 : memref<128x128xf32, #tpu.memory_space<vmem_shared>>) target_semaphore(%run_scoped3A_72 : memref<!tpu.dma_semaphore, #tpu.memory_space<semaphore_mem>>)
        %dma_wait3A = arith.constant 0 : i32
        %dma_wait3A_85 = arith.constant 0 : i32
        %dma_wait3A_86 = tpu.memref_slice %arg14[%run_scoped3A_71, %dma_wait3A, %dma_wait3A_85] : memref<2x128x128xf32, #tpu.memory_space<vmem>> -> memref<1x128x128xf32, #tpu.memory_space<vmem>>
        %dma_wait3A_87 = tpu.memref_squeeze %dma_wait3A_86 : memref<1x128x128xf32, #tpu.memory_space<vmem>> -> memref<128x128xf32, #tpu.memory_space<vmem>>
        %dma_wait3A_88 = arith.constant 0 : i32
        %dma_wait3A_89 = tpu.memref_slice %arg10[%add3A_70, %dma_wait3A_88] : memref<10240x128xf32, #tpu.memory_space<vmem_shared>> -> memref<128x128xf32, #tpu.memory_space<vmem_shared>>
        %dma_wait3A_90 = arith.constant 0 : i32
        %dma_wait3A_91 = tpu.memref_slice %arg10[%add3A_70, %dma_wait3A_90] : memref<10240x128xf32, #tpu.memory_space<vmem_shared>> -> memref<128x128xf32, #tpu.memory_space<vmem_shared>>
        %dma_wait3A_92 = arith.constant 0 : i32
        %dma_wait3A_93 = arith.constant 0 : i32
        %dma_wait3A_94 = tpu.memref_slice %arg14[%run_scoped3A_71, %dma_wait3A_92, %dma_wait3A_93] : memref<2x128x128xf32, #tpu.memory_space<vmem>> -> memref<1x128x128xf32, #tpu.memory_space<vmem>>
        %dma_wait3A_95 = tpu.memref_squeeze %dma_wait3A_94 : memref<1x128x128xf32, #tpu.memory_space<vmem>> -> memref<128x128xf32, #tpu.memory_space<vmem>>
        tpu.wait_dma2 semaphore(%run_scoped3A_72 : memref<!tpu.dma_semaphore, #tpu.memory_space<semaphore_mem>>) src(%dma_wait3A_95 : memref<128x128xf32, #tpu.memory_space<vmem>>) dst(%dma_wait3A_91 : memref<128x128xf32, #tpu.memory_space<vmem_shared>>)
        tpu.yield
      }) : () -> ()
    }
    %scan3A_5 = arith.constant 5 : i32
    %mul3A_6 = arith.constant 640 : i32
    %mul3A_7 = arith.muli %arg1, %mul3A_6 : i32
    %mul3A_8 = arith.constant 640 : i32
    %mul3A_9 = arith.muli %arg1, %mul3A_8 : i32
    "tpu.region"() ({
      %run_scoped3A_67 = tpu.sem_alloc : memref<!tpu.dma_semaphore, #tpu.memory_space<semaphore_mem>>
      %dma_start3A_68 = tpu.memref_slice %arg11[%mul3A_9] : memref<10240xf32, #tpu.memory_space<vmem_shared>> -> memref<640xf32, #tpu.memory_space<vmem_shared>>
      %dma_start3A_69 = tpu.memref_slice %arg6[%mul3A_7] : memref<10240xf32, #tpu.memory_space<hbm>> -> memref<640xf32, #tpu.memory_space<hbm>>
      tpu.enqueue_dma source(%dma_start3A_69 : memref<640xf32, #tpu.memory_space<hbm>>) target(%dma_start3A_68 : memref<640xf32, #tpu.memory_space<vmem_shared>>) target_semaphore(%run_scoped3A_67 : memref<!tpu.dma_semaphore, #tpu.memory_space<semaphore_mem>>)
      %dma_wait3A = tpu.memref_slice %arg11[%mul3A_9] : memref<10240xf32, #tpu.memory_space<vmem_shared>> -> memref<640xf32, #tpu.memory_space<vmem_shared>>
      %dma_wait3A_70 = tpu.memref_slice %arg6[%mul3A_7] : memref<10240xf32, #tpu.memory_space<hbm>> -> memref<640xf32, #tpu.memory_space<hbm>>
      tpu.wait_dma2 semaphore(%run_scoped3A_67 : memref<!tpu.dma_semaphore, #tpu.memory_space<semaphore_mem>>) src(%dma_wait3A_70 : memref<640xf32, #tpu.memory_space<hbm>>) dst(%dma_wait3A : memref<640xf32, #tpu.memory_space<vmem_shared>>)
      tpu.yield
    }) : () -> ()
    %barrier3A = arith.constant 0 : index
    tpu.barrier barrier_id(%barrier3A)
    %mul3A_10 = arith.constant 80 : i32
    %mul3A_11 = arith.muli %arg1, %mul3A_10 : i32
    %add3A = arith.constant 0 : i32
    %add3A_12 = arith.addi %mul3A_11, %add3A : i32
    "tpu.region"() ({
      %run_scoped3A_67 = tpu.sem_alloc : memref<!tpu.dma_semaphore, #tpu.memory_space<semaphore_mem>>
      %dma_start3A_68 = arith.constant 0 : i32
      %dma_start3A_69 = tpu.memref_slice %arg3[%arg0, %add3A_12, %dma_start3A_68] : memref<2x1280x128xi32, #tpu.memory_space<hbm>> -> memref<1x40x128xi32, #tpu.memory_space<hbm>>
      %dma_start3A_70 = tpu.memref_squeeze %dma_start3A_69 : memref<1x40x128xi32, #tpu.memory_space<hbm>> -> memref<40x128xi32, #tpu.memory_space<hbm>>
      %dma_start3A_71 = arith.constant 0 : i32
      %dma_start3A_72 = tpu.memref_slice %arg3[%arg0, %add3A_12, %dma_start3A_71] : memref<2x1280x128xi32, #tpu.memory_space<hbm>> -> memref<1x40x128xi32, #tpu.memory_space<hbm>>
      %dma_start3A_73 = tpu.memref_squeeze %dma_start3A_72 : memref<1x40x128xi32, #tpu.memory_space<hbm>> -> memref<40x128xi32, #tpu.memory_space<hbm>>
      tpu.enqueue_dma source(%dma_start3A_73 : memref<40x128xi32, #tpu.memory_space<hbm>>) target(%arg12 : memref<40x128xi32, #tpu.memory_space<vmem>>) target_semaphore(%run_scoped3A_67 : memref<!tpu.dma_semaphore, #tpu.memory_space<semaphore_mem>>)
      %dma_wait3A = arith.constant 0 : i32
      %dma_wait3A_74 = tpu.memref_slice %arg3[%arg0, %add3A_12, %dma_wait3A] : memref<2x1280x128xi32, #tpu.memory_space<hbm>> -> memref<1x40x128xi32, #tpu.memory_space<hbm>>
      %dma_wait3A_75 = tpu.memref_squeeze %dma_wait3A_74 : memref<1x40x128xi32, #tpu.memory_space<hbm>> -> memref<40x128xi32, #tpu.memory_space<hbm>>
      %dma_wait3A_76 = arith.constant 0 : i32
      %dma_wait3A_77 = tpu.memref_slice %arg3[%arg0, %add3A_12, %dma_wait3A_76] : memref<2x1280x128xi32, #tpu.memory_space<hbm>> -> memref<1x40x128xi32, #tpu.memory_space<hbm>>
      %dma_wait3A_78 = tpu.memref_squeeze %dma_wait3A_77 : memref<1x40x128xi32, #tpu.memory_space<hbm>> -> memref<40x128xi32, #tpu.memory_space<hbm>>
      tpu.wait_dma2 semaphore(%run_scoped3A_67 : memref<!tpu.dma_semaphore, #tpu.memory_space<semaphore_mem>>) src(%dma_wait3A_78 : memref<40x128xi32, #tpu.memory_space<hbm>>) dst(%arg12 : memref<40x128xi32, #tpu.memory_space<vmem>>)
      tpu.yield
    }) : () -> ()
    %mul3A_13 = arith.constant 80 : i32
    %mul3A_14 = arith.muli %arg1, %mul3A_13 : i32
    %add3A_15 = arith.constant 0 : i32
    %add3A_16 = arith.addi %mul3A_14, %add3A_15 : i32
    "tpu.region"() ({
      %run_scoped3A_67 = tpu.sem_alloc : memref<!tpu.dma_semaphore, #tpu.memory_space<semaphore_mem>>
      %dma_start3A_68 = arith.constant 0 : i32
      %dma_start3A_69 = tpu.memref_slice %arg4[%arg0, %add3A_16, %dma_start3A_68] : memref<2x1280x128xi32, #tpu.memory_space<hbm>> -> memref<1x40x128xi32, #tpu.memory_space<hbm>>
      %dma_start3A_70 = tpu.memref_squeeze %dma_start3A_69 : memref<1x40x128xi32, #tpu.memory_space<hbm>> -> memref<40x128xi32, #tpu.memory_space<hbm>>
      %dma_start3A_71 = arith.constant 0 : i32
      %dma_start3A_72 = tpu.memref_slice %arg4[%arg0, %add3A_16, %dma_start3A_71] : memref<2x1280x128xi32, #tpu.memory_space<hbm>> -> memref<1x40x128xi32, #tpu.memory_space<hbm>>
      %dma_start3A_73 = tpu.memref_squeeze %dma_start3A_72 : memref<1x40x128xi32, #tpu.memory_space<hbm>> -> memref<40x128xi32, #tpu.memory_space<hbm>>
      tpu.enqueue_dma source(%dma_start3A_73 : memref<40x128xi32, #tpu.memory_space<hbm>>) target(%arg13 : memref<40x128xi32, #tpu.memory_space<vmem>>) target_semaphore(%run_scoped3A_67 : memref<!tpu.dma_semaphore, #tpu.memory_space<semaphore_mem>>)
      %dma_wait3A = arith.constant 0 : i32
      %dma_wait3A_74 = tpu.memref_slice %arg4[%arg0, %add3A_16, %dma_wait3A] : memref<2x1280x128xi32, #tpu.memory_space<hbm>> -> memref<1x40x128xi32, #tpu.memory_space<hbm>>
      %dma_wait3A_75 = tpu.memref_squeeze %dma_wait3A_74 : memref<1x40x128xi32, #tpu.memory_space<hbm>> -> memref<40x128xi32, #tpu.memory_space<hbm>>
      %dma_wait3A_76 = arith.constant 0 : i32
      %dma_wait3A_77 = tpu.memref_slice %arg4[%arg0, %add3A_16, %dma_wait3A_76] : memref<2x1280x128xi32, #tpu.memory_space<hbm>> -> memref<1x40x128xi32, #tpu.memory_space<hbm>>
      %dma_wait3A_78 = tpu.memref_squeeze %dma_wait3A_77 : memref<1x40x128xi32, #tpu.memory_space<hbm>> -> memref<40x128xi32, #tpu.memory_space<hbm>>
      tpu.wait_dma2 semaphore(%run_scoped3A_67 : memref<!tpu.dma_semaphore, #tpu.memory_space<semaphore_mem>>) src(%dma_wait3A_78 : memref<40x128xi32, #tpu.memory_space<hbm>>) dst(%arg13 : memref<40x128xi32, #tpu.memory_space<vmem>>)
      tpu.yield
    }) : () -> ()
    %dma_start3A = arith.constant 0 : i32
    %dma_start3A_17 = arith.constant 0 : i32
    %dma_start3A_18 = arith.constant 0 : i32
    %dma_start3A_19 = arith.constant 0 : i32
    %dma_start3A_20 = tpu.memref_slice %arg14[%dma_start3A_17, %dma_start3A_18, %dma_start3A_19] : memref<2x128x128xf32, #tpu.memory_space<vmem>> -> memref<1x128x128xf32, #tpu.memory_space<vmem>>
    %dma_start3A_21 = tpu.memref_squeeze %dma_start3A_20 : memref<1x128x128xf32, #tpu.memory_space<vmem>> -> memref<128x128xf32, #tpu.memory_space<vmem>>
    %dma_start3A_22 = arith.constant 0 : i32
    %dma_start3A_23 = tpu.memref_slice %arg12[%dma_start3A, %dma_start3A_22] : memref<40x128xi32, #tpu.memory_space<vmem>> -> memref<1x128xi32, #tpu.memory_space<vmem>>
    %dma_start3A_24 = tpu.memref_squeeze %dma_start3A_23 : memref<1x128xi32, #tpu.memory_space<vmem>> -> memref<128xi32, #tpu.memory_space<vmem>>
    %dma_start3A_25 = arith.constant 0 : i32
    %dma_start3A_26 = arith.constant 0 : i32
    %dma_start3A_27 = tpu.memref_slice %arg2[%dma_start3A_25, %dma_start3A_26] : memref<10000x128xf32, #tpu.memory_space<hbm>> -> memref<10000x128xf32, #tpu.memory_space<hbm>>
    tpu.enqueue_indirect_dma source(%dma_start3A_27 : memref<10000x128xf32, #tpu.memory_space<hbm>>) target(%dma_start3A_21 : memref<128x128xf32, #tpu.memory_space<vmem>>) offsets(%dma_start3A_24 : memref<128xi32, #tpu.memory_space<vmem>>) semaphore(%arg16 : memref<!tpu.dma_semaphore, #tpu.memory_space<semaphore_mem>>)
    %scan3A_28 = arith.constant 0 : i32
    %scan3A_29 = arith.constant 0 : i32
    %scan3A_30 = arith.constant 40 : i32
    %scan3A_31 = arith.addi %scan3A_29, %scan3A_30 : i32
    %scan3A_32 = arith.constant 1 : i32
    scf.for %scan3A_67 = %scan3A_29 to %scan3A_31 step %scan3A_32  : i32 {
      %rem3A = arith.constant 2 : i32
      %rem3A_68 = arith.remsi %scan3A_67, %rem3A : i32
      %dma_wait3A = arith.constant 0 : i32
      %dma_wait3A_69 = arith.constant 0 : i32
      %dma_wait3A_70 = tpu.memref_slice %arg14[%rem3A_68, %dma_wait3A, %dma_wait3A_69] : memref<2x128x128xf32, #tpu.memory_space<vmem>> -> memref<1x128x128xf32, #tpu.memory_space<vmem>>
      %dma_wait3A_71 = tpu.memref_squeeze %dma_wait3A_70 : memref<1x128x128xf32, #tpu.memory_space<vmem>> -> memref<128x128xf32, #tpu.memory_space<vmem>>
      %dma_wait3A_72 = arith.constant 0 : i32
      %dma_wait3A_73 = arith.constant 0 : i32
      %dma_wait3A_74 = tpu.memref_slice %arg2[%dma_wait3A_72, %dma_wait3A_73] : memref<10000x128xf32, #tpu.memory_space<hbm>> -> memref<128x128xf32, #tpu.memory_space<hbm>>
      %dma_wait3A_75 = arith.constant 0 : i32
      %dma_wait3A_76 = arith.constant 0 : i32
      %dma_wait3A_77 = tpu.memref_slice %arg14[%rem3A_68, %dma_wait3A_75, %dma_wait3A_76] : memref<2x128x128xf32, #tpu.memory_space<vmem>> -> memref<1x128x128xf32, #tpu.memory_space<vmem>>
      %dma_wait3A_78 = tpu.memref_squeeze %dma_wait3A_77 : memref<1x128x128xf32, #tpu.memory_space<vmem>> -> memref<128x128xf32, #tpu.memory_space<vmem>>
      %dma_wait3A_79 = arith.constant 0 : i32
      %dma_wait3A_80 = arith.constant 0 : i32
      %dma_wait3A_81 = tpu.memref_slice %arg2[%dma_wait3A_79, %dma_wait3A_80] : memref<10000x128xf32, #tpu.memory_space<hbm>> -> memref<128x128xf32, #tpu.memory_space<hbm>>
      tpu.wait_dma2 semaphore(%arg16 : memref<!tpu.dma_semaphore, #tpu.memory_space<semaphore_mem>>) src(%dma_wait3A_81 : memref<128x128xf32, #tpu.memory_space<hbm>>) dst(%dma_wait3A_78 : memref<128x128xf32, #tpu.memory_space<vmem>>)
      %dma_start3A_82 = arith.constant 0 : i32
      %dma_start3A_83 = tpu.memref_slice %arg13[%scan3A_67, %dma_start3A_82] : memref<40x128xi32, #tpu.memory_space<vmem>> -> memref<1x128xi32, #tpu.memory_space<vmem>>
      %dma_start3A_84 = tpu.memref_squeeze %dma_start3A_83 : memref<1x128xi32, #tpu.memory_space<vmem>> -> memref<128xi32, #tpu.memory_space<vmem>>
      %dma_start3A_85 = arith.constant 0 : i32
      %dma_start3A_86 = tpu.memref_slice %arg11[%dma_start3A_85] : memref<10240xf32, #tpu.memory_space<vmem_shared>> -> memref<10240xf32, #tpu.memory_space<vmem_shared>>
      tpu.enqueue_indirect_dma source(%arg15 : memref<128xf32, #tpu.memory_space<vmem>>) target(%dma_start3A_86 : memref<10240xf32, #tpu.memory_space<vmem_shared>>) offsets(%dma_start3A_84 : memref<128xi32, #tpu.memory_space<vmem>>) semaphore(%arg18 : memref<!tpu.dma_semaphore, #tpu.memory_space<semaphore_mem>>) {add = true}
      %add3A_87 = arith.constant 1 : i32
      %add3A_88 = arith.addi %scan3A_67, %add3A_87 : i32
      %lt3A_89 = arith.constant 40 : i32
      %lt3A_90 = arith.cmpi slt, %add3A_88, %lt3A_89 : i32
      %convert_element_type3A_91 = arith.extui %lt3A_90 : i1 to i32
      %cond3A_92 = arith.constant 0 : i32
      %cond3A_93 = arith.cmpi ne, %convert_element_type3A_91, %cond3A_92 : i32
      scf.if %cond3A_93 {
        %add3A_98 = arith.constant 1 : i32
        %add3A_99 = arith.addi %scan3A_67, %add3A_98 : i32
        %sub3A = arith.constant 1 : i32
        %sub3A_100 = arith.subi %sub3A, %rem3A_68 : i32
        %dma_start3A_101 = arith.constant 0 : i32
        %dma_start3A_102 = arith.constant 0 : i32
        %dma_start3A_103 = tpu.memref_slice %arg14[%sub3A_100, %dma_start3A_101, %dma_start3A_102] : memref<2x128x128xf32, #tpu.memory_space<vmem>> -> memref<1x128x128xf32, #tpu.memory_space<vmem>>
        %dma_start3A_104 = tpu.memref_squeeze %dma_start3A_103 : memref<1x128x128xf32, #tpu.memory_space<vmem>> -> memref<128x128xf32, #tpu.memory_space<vmem>>
        %dma_start3A_105 = arith.constant 0 : i32
        %dma_start3A_106 = tpu.memref_slice %arg12[%add3A_99, %dma_start3A_105] : memref<40x128xi32, #tpu.memory_space<vmem>> -> memref<1x128xi32, #tpu.memory_space<vmem>>
        %dma_start3A_107 = tpu.memref_squeeze %dma_start3A_106 : memref<1x128xi32, #tpu.memory_space<vmem>> -> memref<128xi32, #tpu.memory_space<vmem>>
        %dma_start3A_108 = arith.constant 0 : i32
        %dma_start3A_109 = arith.constant 0 : i32
        %dma_start3A_110 = tpu.memref_slice %arg2[%dma_start3A_108, %dma_start3A_109] : memref<10000x128xf32, #tpu.memory_space<hbm>> -> memref<10000x128xf32, #tpu.memory_space<hbm>>
        tpu.enqueue_indirect_dma source(%dma_start3A_110 : memref<10000x128xf32, #tpu.memory_space<hbm>>) target(%dma_start3A_104 : memref<128x128xf32, #tpu.memory_space<vmem>>) offsets(%dma_start3A_107 : memref<128xi32, #tpu.memory_space<vmem>>) semaphore(%arg16 : memref<!tpu.dma_semaphore, #tpu.memory_space<semaphore_mem>>)
      } else {
      }
      %dma_wait3A_94 = arith.constant 0 : i32
      %dma_wait3A_95 = tpu.memref_slice %arg11[%dma_wait3A_94] : memref<10240xf32, #tpu.memory_space<vmem_shared>> -> memref<128xf32, #tpu.memory_space<vmem_shared>>
      %dma_wait3A_96 = arith.constant 0 : i32
      %dma_wait3A_97 = tpu.memref_slice %arg6[%dma_wait3A_96] : memref<10240xf32, #tpu.memory_space<hbm>> -> memref<128xf32, #tpu.memory_space<hbm>>
      tpu.wait_dma2 semaphore(%arg18 : memref<!tpu.dma_semaphore, #tpu.memory_space<semaphore_mem>>) src(%dma_wait3A_97 : memref<128xf32, #tpu.memory_space<hbm>>) dst(%dma_wait3A_95 : memref<128xf32, #tpu.memory_space<vmem_shared>>)
    }
    %scan3A_33 = arith.constant 40 : i32
    %mul3A_34 = arith.constant 80 : i32
    %mul3A_35 = arith.muli %arg1, %mul3A_34 : i32
    %add3A_36 = arith.constant 40 : i32
    %add3A_37 = arith.addi %mul3A_35, %add3A_36 : i32
    "tpu.region"() ({
      %run_scoped3A_67 = tpu.sem_alloc : memref<!tpu.dma_semaphore, #tpu.memory_space<semaphore_mem>>
      %dma_start3A_68 = arith.constant 0 : i32
      %dma_start3A_69 = tpu.memref_slice %arg3[%arg0, %add3A_37, %dma_start3A_68] : memref<2x1280x128xi32, #tpu.memory_space<hbm>> -> memref<1x40x128xi32, #tpu.memory_space<hbm>>
      %dma_start3A_70 = tpu.memref_squeeze %dma_start3A_69 : memref<1x40x128xi32, #tpu.memory_space<hbm>> -> memref<40x128xi32, #tpu.memory_space<hbm>>
      %dma_start3A_71 = arith.constant 0 : i32
      %dma_start3A_72 = tpu.memref_slice %arg3[%arg0, %add3A_37, %dma_start3A_71] : memref<2x1280x128xi32, #tpu.memory_space<hbm>> -> memref<1x40x128xi32, #tpu.memory_space<hbm>>
      %dma_start3A_73 = tpu.memref_squeeze %dma_start3A_72 : memref<1x40x128xi32, #tpu.memory_space<hbm>> -> memref<40x128xi32, #tpu.memory_space<hbm>>
      tpu.enqueue_dma source(%dma_start3A_73 : memref<40x128xi32, #tpu.memory_space<hbm>>) target(%arg12 : memref<40x128xi32, #tpu.memory_space<vmem>>) target_semaphore(%run_scoped3A_67 : memref<!tpu.dma_semaphore, #tpu.memory_space<semaphore_mem>>)
      %dma_wait3A = arith.constant 0 : i32
      %dma_wait3A_74 = tpu.memref_slice %arg3[%arg0, %add3A_37, %dma_wait3A] : memref<2x1280x128xi32, #tpu.memory_space<hbm>> -> memref<1x40x128xi32, #tpu.memory_space<hbm>>
      %dma_wait3A_75 = tpu.memref_squeeze %dma_wait3A_74 : memref<1x40x128xi32, #tpu.memory_space<hbm>> -> memref<40x128xi32, #tpu.memory_space<hbm>>
      %dma_wait3A_76 = arith.constant 0 : i32
      %dma_wait3A_77 = tpu.memref_slice %arg3[%arg0, %add3A_37, %dma_wait3A_76] : memref<2x1280x128xi32, #tpu.memory_space<hbm>> -> memref<1x40x128xi32, #tpu.memory_space<hbm>>
      %dma_wait3A_78 = tpu.memref_squeeze %dma_wait3A_77 : memref<1x40x128xi32, #tpu.memory_space<hbm>> -> memref<40x128xi32, #tpu.memory_space<hbm>>
      tpu.wait_dma2 semaphore(%run_scoped3A_67 : memref<!tpu.dma_semaphore, #tpu.memory_space<semaphore_mem>>) src(%dma_wait3A_78 : memref<40x128xi32, #tpu.memory_space<hbm>>) dst(%arg12 : memref<40x128xi32, #tpu.memory_space<vmem>>)
      tpu.yield
    }) : () -> ()
    %mul3A_38 = arith.constant 80 : i32
    %mul3A_39 = arith.muli %arg1, %mul3A_38 : i32
    %add3A_40 = arith.constant 40 : i32
    %add3A_41 = arith.addi %mul3A_39, %add3A_40 : i32
    "tpu.region"() ({
      %run_scoped3A_67 = tpu.sem_alloc : memref<!tpu.dma_semaphore, #tpu.memory_space<semaphore_mem>>
      %dma_start3A_68 = arith.constant 0 : i32
      %dma_start3A_69 = tpu.memref_slice %arg4[%arg0, %add3A_41, %dma_start3A_68] : memref<2x1280x128xi32, #tpu.memory_space<hbm>> -> memref<1x40x128xi32, #tpu.memory_space<hbm>>
      %dma_start3A_70 = tpu.memref_squeeze %dma_start3A_69 : memref<1x40x128xi32, #tpu.memory_space<hbm>> -> memref<40x128xi32, #tpu.memory_space<hbm>>
      %dma_start3A_71 = arith.constant 0 : i32
      %dma_start3A_72 = tpu.memref_slice %arg4[%arg0, %add3A_41, %dma_start3A_71] : memref<2x1280x128xi32, #tpu.memory_space<hbm>> -> memref<1x40x128xi32, #tpu.memory_space<hbm>>
      %dma_start3A_73 = tpu.memref_squeeze %dma_start3A_72 : memref<1x40x128xi32, #tpu.memory_space<hbm>> -> memref<40x128xi32, #tpu.memory_space<hbm>>
      tpu.enqueue_dma source(%dma_start3A_73 : memref<40x128xi32, #tpu.memory_space<hbm>>) target(%arg13 : memref<40x128xi32, #tpu.memory_space<vmem>>) target_semaphore(%run_scoped3A_67 : memref<!tpu.dma_semaphore, #tpu.memory_space<semaphore_mem>>)
      %dma_wait3A = arith.constant 0 : i32
      %dma_wait3A_74 = tpu.memref_slice %arg4[%arg0, %add3A_41, %dma_wait3A] : memref<2x1280x128xi32, #tpu.memory_space<hbm>> -> memref<1x40x128xi32, #tpu.memory_space<hbm>>
      %dma_wait3A_75 = tpu.memref_squeeze %dma_wait3A_74 : memref<1x40x128xi32, #tpu.memory_space<hbm>> -> memref<40x128xi32, #tpu.memory_space<hbm>>
      %dma_wait3A_76 = arith.constant 0 : i32
      %dma_wait3A_77 = tpu.memref_slice %arg4[%arg0, %add3A_41, %dma_wait3A_76] : memref<2x1280x128xi32, #tpu.memory_space<hbm>> -> memref<1x40x128xi32, #tpu.memory_space<hbm>>
      %dma_wait3A_78 = tpu.memref_squeeze %dma_wait3A_77 : memref<1x40x128xi32, #tpu.memory_space<hbm>> -> memref<40x128xi32, #tpu.memory_space<hbm>>
      tpu.wait_dma2 semaphore(%run_scoped3A_67 : memref<!tpu.dma_semaphore, #tpu.memory_space<semaphore_mem>>) src(%dma_wait3A_78 : memref<40x128xi32, #tpu.memory_space<hbm>>) dst(%arg13 : memref<40x128xi32, #tpu.memory_space<vmem>>)
      tpu.yield
    }) : () -> ()
    %dma_start3A_42 = arith.constant 0 : i32
    %dma_start3A_43 = arith.constant 0 : i32
    %dma_start3A_44 = arith.constant 0 : i32
    %dma_start3A_45 = arith.constant 0 : i32
    %dma_start3A_46 = tpu.memref_slice %arg14[%dma_start3A_43, %dma_start3A_44, %dma_start3A_45] : memref<2x128x128xf32, #tpu.memory_space<vmem>> -> memref<1x128x128xf32, #tpu.memory_space<vmem>>
    %dma_start3A_47 = tpu.memref_squeeze %dma_start3A_46 : memref<1x128x128xf32, #tpu.memory_space<vmem>> -> memref<128x128xf32, #tpu.memory_space<vmem>>
    %dma_start3A_48 = arith.constant 0 : i32
    %dma_start3A_49 = tpu.memref_slice %arg12[%dma_start3A_42, %dma_start3A_48] : memref<40x128xi32, #tpu.memory_space<vmem>> -> memref<1x128xi32, #tpu.memory_space<vmem>>
    %dma_start3A_50 = tpu.memref_squeeze %dma_start3A_49 : memref<1x128xi32, #tpu.memory_space<vmem>> -> memref<128xi32, #tpu.memory_space<vmem>>
    %dma_start3A_51 = arith.constant 0 : i32
    %dma_start3A_52 = arith.constant 0 : i32
    %dma_start3A_53 = tpu.memref_slice %arg2[%dma_start3A_51, %dma_start3A_52] : memref<10000x128xf32, #tpu.memory_space<hbm>> -> memref<10000x128xf32, #tpu.memory_space<hbm>>
    tpu.enqueue_indirect_dma source(%dma_start3A_53 : memref<10000x128xf32, #tpu.memory_space<hbm>>) target(%dma_start3A_47 : memref<128x128xf32, #tpu.memory_space<vmem>>) offsets(%dma_start3A_50 : memref<128xi32, #tpu.memory_space<vmem>>) semaphore(%arg16 : memref<!tpu.dma_semaphore, #tpu.memory_space<semaphore_mem>>)
    %scan3A_54 = arith.constant 0 : i32
    %scan3A_55 = arith.constant 0 : i32
    %scan3A_56 = arith.constant 40 : i32
    %scan3A_57 = arith.addi %scan3A_55, %scan3A_56 : i32
    %scan3A_58 = arith.constant 1 : i32
    scf.for %scan3A_67 = %scan3A_55 to %scan3A_57 step %scan3A_58  : i32 {
      %rem3A = arith.constant 2 : i32
      %rem3A_68 = arith.remsi %scan3A_67, %rem3A : i32
      %dma_wait3A = arith.constant 0 : i32
      %dma_wait3A_69 = arith.constant 0 : i32
      %dma_wait3A_70 = tpu.memref_slice %arg14[%rem3A_68, %dma_wait3A, %dma_wait3A_69] : memref<2x128x128xf32, #tpu.memory_space<vmem>> -> memref<1x128x128xf32, #tpu.memory_space<vmem>>
      %dma_wait3A_71 = tpu.memref_squeeze %dma_wait3A_70 : memref<1x128x128xf32, #tpu.memory_space<vmem>> -> memref<128x128xf32, #tpu.memory_space<vmem>>
      %dma_wait3A_72 = arith.constant 0 : i32
      %dma_wait3A_73 = arith.constant 0 : i32
      %dma_wait3A_74 = tpu.memref_slice %arg2[%dma_wait3A_72, %dma_wait3A_73] : memref<10000x128xf32, #tpu.memory_space<hbm>> -> memref<128x128xf32, #tpu.memory_space<hbm>>
      %dma_wait3A_75 = arith.constant 0 : i32
      %dma_wait3A_76 = arith.constant 0 : i32
      %dma_wait3A_77 = tpu.memref_slice %arg14[%rem3A_68, %dma_wait3A_75, %dma_wait3A_76] : memref<2x128x128xf32, #tpu.memory_space<vmem>> -> memref<1x128x128xf32, #tpu.memory_space<vmem>>
      %dma_wait3A_78 = tpu.memref_squeeze %dma_wait3A_77 : memref<1x128x128xf32, #tpu.memory_space<vmem>> -> memref<128x128xf32, #tpu.memory_space<vmem>>
      %dma_wait3A_79 = arith.constant 0 : i32
      %dma_wait3A_80 = arith.constant 0 : i32
      %dma_wait3A_81 = tpu.memref_slice %arg2[%dma_wait3A_79, %dma_wait3A_80] : memref<10000x128xf32, #tpu.memory_space<hbm>> -> memref<128x128xf32, #tpu.memory_space<hbm>>
      tpu.wait_dma2 semaphore(%arg16 : memref<!tpu.dma_semaphore, #tpu.memory_space<semaphore_mem>>) src(%dma_wait3A_81 : memref<128x128xf32, #tpu.memory_space<hbm>>) dst(%dma_wait3A_78 : memref<128x128xf32, #tpu.memory_space<vmem>>)
      %dma_start3A_82 = arith.constant 0 : i32
      %dma_start3A_83 = tpu.memref_slice %arg13[%scan3A_67, %dma_start3A_82] : memref<40x128xi32, #tpu.memory_space<vmem>> -> memref<1x128xi32, #tpu.memory_space<vmem>>
      %dma_start3A_84 = tpu.memref_squeeze %dma_start3A_83 : memref<1x128xi32, #tpu.memory_space<vmem>> -> memref<128xi32, #tpu.memory_space<vmem>>
      %dma_start3A_85 = arith.constant 0 : i32
      %dma_start3A_86 = tpu.memref_slice %arg11[%dma_start3A_85] : memref<10240xf32, #tpu.memory_space<vmem_shared>> -> memref<10240xf32, #tpu.memory_space<vmem_shared>>
      tpu.enqueue_indirect_dma source(%arg15 : memref<128xf32, #tpu.memory_space<vmem>>) target(%dma_start3A_86 : memref<10240xf32, #tpu.memory_space<vmem_shared>>) offsets(%dma_start3A_84 : memref<128xi32, #tpu.memory_space<vmem>>) semaphore(%arg18 : memref<!tpu.dma_semaphore, #tpu.memory_space<semaphore_mem>>) {add = true}
      %add3A_87 = arith.constant 1 : i32
      %add3A_88 = arith.addi %scan3A_67, %add3A_87 : i32
      %lt3A_89 = arith.constant 40 : i32
      %lt3A_90 = arith.cmpi slt, %add3A_88, %lt3A_89 : i32
      %convert_element_type3A_91 = arith.extui %lt3A_90 : i1 to i32
      %cond3A_92 = arith.constant 0 : i32
      %cond3A_93 = arith.cmpi ne, %convert_element_type3A_91, %cond3A_92 : i32
      scf.if %cond3A_93 {
        %add3A_98 = arith.constant 1 : i32
        %add3A_99 = arith.addi %scan3A_67, %add3A_98 : i32
        %sub3A = arith.constant 1 : i32
        %sub3A_100 = arith.subi %sub3A, %rem3A_68 : i32
        %dma_start3A_101 = arith.constant 0 : i32
        %dma_start3A_102 = arith.constant 0 : i32
        %dma_start3A_103 = tpu.memref_slice %arg14[%sub3A_100, %dma_start3A_101, %dma_start3A_102] : memref<2x128x128xf32, #tpu.memory_space<vmem>> -> memref<1x128x128xf32, #tpu.memory_space<vmem>>
        %dma_start3A_104 = tpu.memref_squeeze %dma_start3A_103 : memref<1x128x128xf32, #tpu.memory_space<vmem>> -> memref<128x128xf32, #tpu.memory_space<vmem>>
        %dma_start3A_105 = arith.constant 0 : i32
        %dma_start3A_106 = tpu.memref_slice %arg12[%add3A_99, %dma_start3A_105] : memref<40x128xi32, #tpu.memory_space<vmem>> -> memref<1x128xi32, #tpu.memory_space<vmem>>
        %dma_start3A_107 = tpu.memref_squeeze %dma_start3A_106 : memref<1x128xi32, #tpu.memory_space<vmem>> -> memref<128xi32, #tpu.memory_space<vmem>>
        %dma_start3A_108 = arith.constant 0 : i32
        %dma_start3A_109 = arith.constant 0 : i32
        %dma_start3A_110 = tpu.memref_slice %arg2[%dma_start3A_108, %dma_start3A_109] : memref<10000x128xf32, #tpu.memory_space<hbm>> -> memref<10000x128xf32, #tpu.memory_space<hbm>>
        tpu.enqueue_indirect_dma source(%dma_start3A_110 : memref<10000x128xf32, #tpu.memory_space<hbm>>) target(%dma_start3A_104 : memref<128x128xf32, #tpu.memory_space<vmem>>) offsets(%dma_start3A_107 : memref<128xi32, #tpu.memory_space<vmem>>) semaphore(%arg16 : memref<!tpu.dma_semaphore, #tpu.memory_space<semaphore_mem>>)
      } else {
      }
      %dma_wait3A_94 = arith.constant 0 : i32
      %dma_wait3A_95 = tpu.memref_slice %arg11[%dma_wait3A_94] : memref<10240xf32, #tpu.memory_space<vmem_shared>> -> memref<128xf32, #tpu.memory_space<vmem_shared>>
      %dma_wait3A_96 = arith.constant 0 : i32
      %dma_wait3A_97 = tpu.memref_slice %arg6[%dma_wait3A_96] : memref<10240xf32, #tpu.memory_space<hbm>> -> memref<128xf32, #tpu.memory_space<hbm>>
      tpu.wait_dma2 semaphore(%arg18 : memref<!tpu.dma_semaphore, #tpu.memory_space<semaphore_mem>>) src(%dma_wait3A_97 : memref<128xf32, #tpu.memory_space<hbm>>) dst(%dma_wait3A_95 : memref<128xf32, #tpu.memory_space<vmem_shared>>)
    }
    %scan3A_59 = arith.constant 40 : i32
    %barrier3A_60 = arith.constant 0 : index
    tpu.barrier barrier_id(%barrier3A_60)
    %lt3A = arith.constant 10 : i32
    %lt3A_61 = arith.cmpi slt, %arg1, %lt3A : i32
    %convert_element_type3A = arith.extui %lt3A_61 : i1 to i32
    %cond3A = arith.constant 0 : i32
    %cond3A_62 = arith.cmpi ne, %convert_element_type3A, %cond3A : i32
    scf.if %cond3A_62 {
      %mul3A_67 = arith.constant 1000 : i32
      %mul3A_68 = arith.muli %arg1, %mul3A_67 : i32
      "tpu.region"() ({
        %run_scoped3A_69 = tpu.sem_alloc : memref<!tpu.dma_semaphore, #tpu.memory_space<semaphore_mem>>
        %dma_start3A_70 = arith.constant 0 : i32
        %dma_start3A_71 = tpu.memref_slice %arg8[%arg0, %mul3A_68, %dma_start3A_70] : memref<2x10000x128xf32, #tpu.memory_space<hbm>> -> memref<1x1000x128xf32, #tpu.memory_space<hbm>>
        %dma_start3A_72 = tpu.memref_squeeze %dma_start3A_71 : memref<1x1000x128xf32, #tpu.memory_space<hbm>> -> memref<1000x128xf32, #tpu.memory_space<hbm>>
        %dma_start3A_73 = arith.constant 0 : i32
        %dma_start3A_74 = tpu.memref_slice %arg10[%mul3A_68, %dma_start3A_73] : memref<10240x128xf32, #tpu.memory_space<vmem_shared>> -> memref<1000x128xf32, #tpu.memory_space<vmem_shared>>
        tpu.enqueue_dma source(%dma_start3A_74 : memref<1000x128xf32, #tpu.memory_space<vmem_shared>>) target(%dma_start3A_72 : memref<1000x128xf32, #tpu.memory_space<hbm>>) target_semaphore(%run_scoped3A_69 : memref<!tpu.dma_semaphore, #tpu.memory_space<semaphore_mem>>)
        %dma_wait3A = arith.constant 0 : i32
        %dma_wait3A_75 = tpu.memref_slice %arg8[%arg0, %mul3A_68, %dma_wait3A] : memref<2x10000x128xf32, #tpu.memory_space<hbm>> -> memref<1x1000x128xf32, #tpu.memory_space<hbm>>
        %dma_wait3A_76 = tpu.memref_squeeze %dma_wait3A_75 : memref<1x1000x128xf32, #tpu.memory_space<hbm>> -> memref<1000x128xf32, #tpu.memory_space<hbm>>
        %dma_wait3A_77 = arith.constant 0 : i32
        %dma_wait3A_78 = tpu.memref_slice %arg10[%mul3A_68, %dma_wait3A_77] : memref<10240x128xf32, #tpu.memory_space<vmem_shared>> -> memref<1000x128xf32, #tpu.memory_space<vmem_shared>>
        tpu.wait_dma2 semaphore(%run_scoped3A_69 : memref<!tpu.dma_semaphore, #tpu.memory_space<semaphore_mem>>) src(%dma_wait3A_78 : memref<1000x128xf32, #tpu.memory_space<vmem_shared>>) dst(%dma_wait3A_76 : memref<1000x128xf32, #tpu.memory_space<hbm>>)
        tpu.yield
      }) : () -> ()
    } else {
    }
    %mul3A_63 = arith.constant 640 : i32
    %mul3A_64 = arith.muli %arg1, %mul3A_63 : i32
    %mul3A_65 = arith.constant 640 : i32
    %mul3A_66 = arith.muli %arg1, %mul3A_65 : i32
    "tpu.region"() ({
      %run_scoped3A_67 = tpu.sem_alloc : memref<!tpu.dma_semaphore, #tpu.memory_space<semaphore_mem>>
      %dma_start3A_68 = tpu.memref_slice %arg9[%arg0, %mul3A_66] : memref<2x10240xf32, #tpu.memory_space<hbm>> -> memref<1x640xf32, #tpu.memory_space<hbm>>
      %dma_start3A_69 = tpu.memref_squeeze %dma_start3A_68 : memref<1x640xf32, #tpu.memory_space<hbm>> -> memref<640xf32, #tpu.memory_space<hbm>>
      %dma_start3A_70 = tpu.memref_slice %arg11[%mul3A_64] : memref<10240xf32, #tpu.memory_space<vmem_shared>> -> memref<640xf32, #tpu.memory_space<vmem_shared>>
      tpu.enqueue_dma source(%dma_start3A_70 : memref<640xf32, #tpu.memory_space<vmem_shared>>) target(%dma_start3A_69 : memref<640xf32, #tpu.memory_space<hbm>>) target_semaphore(%run_scoped3A_67 : memref<!tpu.dma_semaphore, #tpu.memory_space<semaphore_mem>>)
      %dma_wait3A = tpu.memref_slice %arg9[%arg0, %mul3A_66] : memref<2x10240xf32, #tpu.memory_space<hbm>> -> memref<1x640xf32, #tpu.memory_space<hbm>>
      %dma_wait3A_71 = tpu.memref_squeeze %dma_wait3A : memref<1x640xf32, #tpu.memory_space<hbm>> -> memref<640xf32, #tpu.memory_space<hbm>>
      %dma_wait3A_72 = tpu.memref_slice %arg11[%mul3A_64] : memref<10240xf32, #tpu.memory_space<vmem_shared>> -> memref<640xf32, #tpu.memory_space<vmem_shared>>
      tpu.wait_dma2 semaphore(%run_scoped3A_67 : memref<!tpu.dma_semaphore, #tpu.memory_space<semaphore_mem>>) src(%dma_wait3A_72 : memref<640xf32, #tpu.memory_space<vmem_shared>>) dst(%dma_wait3A_71 : memref<640xf32, #tpu.memory_space<hbm>>)
      tpu.yield
    }) : () -> ()
    return
  }
}

#map = affine_map<(d0, d1) -> (0, 0)>
#map1 = affine_map<(d0, d1) -> (0, 0, 0)>
#map2 = affine_map<(d0, d1) -> (0)>
module attributes {stable_mosaic.version = 14 : i64} {
  func.func @body(%arg0: i32, %arg1: i32, %arg2: memref<10000x128xf32, #tpu.memory_space<hbm>>, %arg3: memref<2x1280x128xi32, #tpu.memory_space<hbm>>, %arg4: memref<2x1280x128xi32, #tpu.memory_space<hbm>>, %arg5: memref<128x128xf32, #tpu.memory_space<hbm>>, %arg6: memref<10240xf32, #tpu.memory_space<hbm>>, %arg7: memref<128xf32, #tpu.memory_space<hbm>>, %arg8: memref<2x10000x128xf32, #tpu.memory_space<hbm>>, %arg9: memref<2x10240xf32, #tpu.memory_space<hbm>>, %arg10: memref<10240x128xf32, #tpu.memory_space<vmem_shared>>, %arg11: memref<10240xf32, #tpu.memory_space<vmem_shared>>, %arg12: memref<40x128xi32, #tpu.memory_space<vmem>>, %arg13: memref<40x128xi32, #tpu.memory_space<vmem>>, %arg14: memref<2x128x128xf32, #tpu.memory_space<vmem>>, %arg15: memref<128xf32, #tpu.memory_space<vmem>>, %arg16: memref<!tpu.dma_semaphore, #tpu.memory_space<semaphore_mem>>, %arg17: memref<!tpu.dma_semaphore, #tpu.memory_space<semaphore_mem>>, %arg18: memref<!tpu.dma_semaphore, #tpu.memory_space<semaphore_mem>>) attributes {dimension_semantics = [#tpu.dimension_semantics<core_parallel>, #tpu.dimension_semantics<subcore_parallel>], iteration_bounds = array<i64: 2, 16>, scalar_prefetch = 0 : i64, scratch_operands = 9 : i64, tpu.core_type = #tpu.core_type<sc_vector_subcore>, window_params = [{transform_indices = #map}, {transform_indices = #map1}, {transform_indices = #map1}, {transform_indices = #map}, {transform_indices = #map2}, {transform_indices = #map2}, {transform_indices = #map1}, {transform_indices = #map}]} {
    %run_scoped3A = arith.constant 0 : i32
    "tpu.region"() ({
      %run_scoped3A_67 = tpu.sem_alloc : memref<!tpu.dma_semaphore, #tpu.memory_space<semaphore_mem>>
      %dma_start3A_68 = arith.constant 0 : i32
      %dma_start3A_69 = arith.constant 0 : i32
      %dma_start3A_70 = tpu.memref_slice %arg14[%run_scoped3A, %dma_start3A_68, %dma_start3A_69] : memref<2x128x128xf32, #tpu.memory_space<vmem>> -> memref<1x128x128xf32, #tpu.memory_space<vmem>>
      %dma_start3A_71 = tpu.memref_squeeze %dma_start3A_70 : memref<1x128x128xf32, #tpu.memory_space<vmem>> -> memref<128x128xf32, #tpu.memory_space<vmem>>
      %dma_start3A_72 = arith.constant 0 : i32
      %dma_start3A_73 = arith.constant 0 : i32
      %dma_start3A_74 = tpu.memref_slice %arg14[%run_scoped3A, %dma_start3A_72, %dma_start3A_73] : memref<2x128x128xf32, #tpu.memory_space<vmem>> -> memref<1x128x128xf32, #tpu.memory_space<vmem>>
      %dma_start3A_75 = tpu.memref_squeeze %dma_start3A_74 : memref<1x128x128xf32, #tpu.memory_space<vmem>> -> memref<128x128xf32, #tpu.memory_space<vmem>>
      tpu.enqueue_dma source(%arg5 : memref<128x128xf32, #tpu.memory_space<hbm>>) target(%dma_start3A_75 : memref<128x128xf32, #tpu.memory_space<vmem>>) target_semaphore(%run_scoped3A_67 : memref<!tpu.dma_semaphore, #tpu.memory_space<semaphore_mem>>)
      %dma_wait3A = arith.constant 0 : i32
      %dma_wait3A_76 = arith.constant 0 : i32
      %dma_wait3A_77 = tpu.memref_slice %arg14[%run_scoped3A, %dma_wait3A, %dma_wait3A_76] : memref<2x128x128xf32, #tpu.memory_space<vmem>> -> memref<1x128x128xf32, #tpu.memory_space<vmem>>
      %dma_wait3A_78 = tpu.memref_squeeze %dma_wait3A_77 : memref<1x128x128xf32, #tpu.memory_space<vmem>> -> memref<128x128xf32, #tpu.memory_space<vmem>>
      %dma_wait3A_79 = arith.constant 0 : i32
      %dma_wait3A_80 = arith.constant 0 : i32
      %dma_wait3A_81 = tpu.memref_slice %arg14[%run_scoped3A, %dma_wait3A_79, %dma_wait3A_80] : memref<2x128x128xf32, #tpu.memory_space<vmem>> -> memref<1x128x128xf32, #tpu.memory_space<vmem>>
      %dma_wait3A_82 = tpu.memref_squeeze %dma_wait3A_81 : memref<1x128x128xf32, #tpu.memory_space<vmem>> -> memref<128x128xf32, #tpu.memory_space<vmem>>
      tpu.wait_dma2 semaphore(%run_scoped3A_67 : memref<!tpu.dma_semaphore, #tpu.memory_space<semaphore_mem>>) src(%arg5 : memref<128x128xf32, #tpu.memory_space<hbm>>) dst(%dma_wait3A_82 : memref<128x128xf32, #tpu.memory_space<vmem>>)
      tpu.yield
    }) : () -> ()
    "tpu.region"() ({
      %run_scoped3A_67 = tpu.sem_alloc : memref<!tpu.dma_semaphore, #tpu.memory_space<semaphore_mem>>
      tpu.enqueue_dma source(%arg7 : memref<128xf32, #tpu.memory_space<hbm>>) target(%arg15 : memref<128xf32, #tpu.memory_space<vmem>>) target_semaphore(%run_scoped3A_67 : memref<!tpu.dma_semaphore, #tpu.memory_space<semaphore_mem>>)
      tpu.wait_dma2 semaphore(%run_scoped3A_67 : memref<!tpu.dma_semaphore, #tpu.memory_space<semaphore_mem>>) src(%arg7 : memref<128xf32, #tpu.memory_space<hbm>>) dst(%arg15 : memref<128xf32, #tpu.memory_space<vmem>>)
      tpu.yield
    }) : () -> ()
    %mul3A = arith.constant 640 : i32
    %mul3A_0 = arith.muli %arg1, %mul3A : i32
    %scan3A = arith.constant 0 : i32
    %scan3A_1 = arith.constant 0 : i32
    %scan3A_2 = arith.constant 5 : i32
    %scan3A_3 = arith.addi %scan3A_1, %scan3A_2 : i32
    %scan3A_4 = arith.constant 1 : i32
    scf.for %scan3A_67 = %scan3A_1 to %scan3A_3 step %scan3A_4  : i32 {
      %mul3A_68 = arith.constant 128 : i32
      %mul3A_69 = arith.muli %scan3A_67, %mul3A_68 : i32
      %add3A_70 = arith.addi %mul3A_0, %mul3A_69 : i32
      %run_scoped3A_71 = arith.constant 0 : i32
      "tpu.region"() ({
        %run_scoped3A_72 = tpu.sem_alloc : memref<!tpu.dma_semaphore, #tpu.memory_space<semaphore_mem>>
        %dma_start3A_73 = arith.constant 0 : i32
        %dma_start3A_74 = arith.constant 0 : i32
        %dma_start3A_75 = tpu.memref_slice %arg14[%run_scoped3A_71, %dma_start3A_73, %dma_start3A_74] : memref<2x128x128xf32, #tpu.memory_space<vmem>> -> memref<1x128x128xf32, #tpu.memory_space<vmem>>
        %dma_start3A_76 = tpu.memref_squeeze %dma_start3A_75 : memref<1x128x128xf32, #tpu.memory_space<vmem>> -> memref<128x128xf32, #tpu.memory_space<vmem>>
        %dma_start3A_77 = arith.constant 0 : i32
        %dma_start3A_78 = tpu.memref_slice %arg10[%add3A_70, %dma_start3A_77] : memref<10240x128xf32, #tpu.memory_space<vmem_shared>> -> memref<128x128xf32, #tpu.memory_space<vmem_shared>>
        %dma_start3A_79 = arith.constant 0 : i32
        %dma_start3A_80 = tpu.memref_slice %arg10[%add3A_70, %dma_start3A_79] : memref<10240x128xf32, #tpu.memory_space<vmem_shared>> -> memref<128x128xf32, #tpu.memory_space<vmem_shared>>
        %dma_start3A_81 = arith.constant 0 : i32
        %dma_start3A_82 = arith.constant 0 : i32
        %dma_start3A_83 = tpu.memref_slice %arg14[%run_scoped3A_71, %dma_start3A_81, %dma_start3A_82] : memref<2x128x128xf32, #tpu.memory_space<vmem>> -> memref<1x128x128xf32, #tpu.memory_space<vmem>>
        %dma_start3A_84 = tpu.memref_squeeze %dma_start3A_83 : memref<1x128x128xf32, #tpu.memory_space<vmem>> -> memref<128x128xf32, #tpu.memory_space<vmem>>
        tpu.enqueue_dma source(%dma_start3A_84 : memref<128x128xf32, #tpu.memory_space<vmem>>) target(%dma_start3A_80 : memref<128x128xf32, #tpu.memory_space<vmem_shared>>) target_semaphore(%run_scoped3A_72 : memref<!tpu.dma_semaphore, #tpu.memory_space<semaphore_mem>>)
        %dma_wait3A = arith.constant 0 : i32
        %dma_wait3A_85 = arith.constant 0 : i32
        %dma_wait3A_86 = tpu.memref_slice %arg14[%run_scoped3A_71, %dma_wait3A, %dma_wait3A_85] : memref<2x128x128xf32, #tpu.memory_space<vmem>> -> memref<1x128x128xf32, #tpu.memory_space<vmem>>
        %dma_wait3A_87 = tpu.memref_squeeze %dma_wait3A_86 : memref<1x128x128xf32, #tpu.memory_space<vmem>> -> memref<128x128xf32, #tpu.memory_space<vmem>>
        %dma_wait3A_88 = arith.constant 0 : i32
        %dma_wait3A_89 = tpu.memref_slice %arg10[%add3A_70, %dma_wait3A_88] : memref<10240x128xf32, #tpu.memory_space<vmem_shared>> -> memref<128x128xf32, #tpu.memory_space<vmem_shared>>
        %dma_wait3A_90 = arith.constant 0 : i32
        %dma_wait3A_91 = tpu.memref_slice %arg10[%add3A_70, %dma_wait3A_90] : memref<10240x128xf32, #tpu.memory_space<vmem_shared>> -> memref<128x128xf32, #tpu.memory_space<vmem_shared>>
        %dma_wait3A_92 = arith.constant 0 : i32
        %dma_wait3A_93 = arith.constant 0 : i32
        %dma_wait3A_94 = tpu.memref_slice %arg14[%run_scoped3A_71, %dma_wait3A_92, %dma_wait3A_93] : memref<2x128x128xf32, #tpu.memory_space<vmem>> -> memref<1x128x128xf32, #tpu.memory_space<vmem>>
        %dma_wait3A_95 = tpu.memref_squeeze %dma_wait3A_94 : memref<1x128x128xf32, #tpu.memory_space<vmem>> -> memref<128x128xf32, #tpu.memory_space<vmem>>
        tpu.wait_dma2 semaphore(%run_scoped3A_72 : memref<!tpu.dma_semaphore, #tpu.memory_space<semaphore_mem>>) src(%dma_wait3A_95 : memref<128x128xf32, #tpu.memory_space<vmem>>) dst(%dma_wait3A_91 : memref<128x128xf32, #tpu.memory_space<vmem_shared>>)
        tpu.yield
      }) : () -> ()
    }
    %scan3A_5 = arith.constant 5 : i32
    %mul3A_6 = arith.constant 640 : i32
    %mul3A_7 = arith.muli %arg1, %mul3A_6 : i32
    %mul3A_8 = arith.constant 640 : i32
    %mul3A_9 = arith.muli %arg1, %mul3A_8 : i32
    "tpu.region"() ({
      %run_scoped3A_67 = tpu.sem_alloc : memref<!tpu.dma_semaphore, #tpu.memory_space<semaphore_mem>>
      %dma_start3A_68 = tpu.memref_slice %arg11[%mul3A_9] : memref<10240xf32, #tpu.memory_space<vmem_shared>> -> memref<640xf32, #tpu.memory_space<vmem_shared>>
      %dma_start3A_69 = tpu.memref_slice %arg6[%mul3A_7] : memref<10240xf32, #tpu.memory_space<hbm>> -> memref<640xf32, #tpu.memory_space<hbm>>
      tpu.enqueue_dma source(%dma_start3A_69 : memref<640xf32, #tpu.memory_space<hbm>>) target(%dma_start3A_68 : memref<640xf32, #tpu.memory_space<vmem_shared>>) target_semaphore(%run_scoped3A_67 : memref<!tpu.dma_semaphore, #tpu.memory_space<semaphore_mem>>)
      %dma_wait3A = tpu.memref_slice %arg11[%mul3A_9] : memref<10240xf32, #tpu.memory_space<vmem_shared>> -> memref<640xf32, #tpu.memory_space<vmem_shared>>
      %dma_wait3A_70 = tpu.memref_slice %arg6[%mul3A_7] : memref<10240xf32, #tpu.memory_space<hbm>> -> memref<640xf32, #tpu.memory_space<hbm>>
      tpu.wait_dma2 semaphore(%run_scoped3A_67 : memref<!tpu.dma_semaphore, #tpu.memory_space<semaphore_mem>>) src(%dma_wait3A_70 : memref<640xf32, #tpu.memory_space<hbm>>) dst(%dma_wait3A : memref<640xf32, #tpu.memory_space<vmem_shared>>)
      tpu.yield
    }) : () -> ()
    %barrier3A = arith.constant 0 : index
    tpu.barrier barrier_id(%barrier3A)
    %mul3A_10 = arith.constant 80 : i32
    %mul3A_11 = arith.muli %arg1, %mul3A_10 : i32
    %add3A = arith.constant 0 : i32
    %add3A_12 = arith.addi %mul3A_11, %add3A : i32
    "tpu.region"() ({
      %run_scoped3A_67 = tpu.sem_alloc : memref<!tpu.dma_semaphore, #tpu.memory_space<semaphore_mem>>
      %dma_start3A_68 = arith.constant 0 : i32
      %dma_start3A_69 = tpu.memref_slice %arg3[%arg0, %add3A_12, %dma_start3A_68] : memref<2x1280x128xi32, #tpu.memory_space<hbm>> -> memref<1x40x128xi32, #tpu.memory_space<hbm>>
      %dma_start3A_70 = tpu.memref_squeeze %dma_start3A_69 : memref<1x40x128xi32, #tpu.memory_space<hbm>> -> memref<40x128xi32, #tpu.memory_space<hbm>>
      %dma_start3A_71 = arith.constant 0 : i32
      %dma_start3A_72 = tpu.memref_slice %arg3[%arg0, %add3A_12, %dma_start3A_71] : memref<2x1280x128xi32, #tpu.memory_space<hbm>> -> memref<1x40x128xi32, #tpu.memory_space<hbm>>
      %dma_start3A_73 = tpu.memref_squeeze %dma_start3A_72 : memref<1x40x128xi32, #tpu.memory_space<hbm>> -> memref<40x128xi32, #tpu.memory_space<hbm>>
      tpu.enqueue_dma source(%dma_start3A_73 : memref<40x128xi32, #tpu.memory_space<hbm>>) target(%arg12 : memref<40x128xi32, #tpu.memory_space<vmem>>) target_semaphore(%run_scoped3A_67 : memref<!tpu.dma_semaphore, #tpu.memory_space<semaphore_mem>>)
      %dma_wait3A = arith.constant 0 : i32
      %dma_wait3A_74 = tpu.memref_slice %arg3[%arg0, %add3A_12, %dma_wait3A] : memref<2x1280x128xi32, #tpu.memory_space<hbm>> -> memref<1x40x128xi32, #tpu.memory_space<hbm>>
      %dma_wait3A_75 = tpu.memref_squeeze %dma_wait3A_74 : memref<1x40x128xi32, #tpu.memory_space<hbm>> -> memref<40x128xi32, #tpu.memory_space<hbm>>
      %dma_wait3A_76 = arith.constant 0 : i32
      %dma_wait3A_77 = tpu.memref_slice %arg3[%arg0, %add3A_12, %dma_wait3A_76] : memref<2x1280x128xi32, #tpu.memory_space<hbm>> -> memref<1x40x128xi32, #tpu.memory_space<hbm>>
      %dma_wait3A_78 = tpu.memref_squeeze %dma_wait3A_77 : memref<1x40x128xi32, #tpu.memory_space<hbm>> -> memref<40x128xi32, #tpu.memory_space<hbm>>
      tpu.wait_dma2 semaphore(%run_scoped3A_67 : memref<!tpu.dma_semaphore, #tpu.memory_space<semaphore_mem>>) src(%dma_wait3A_78 : memref<40x128xi32, #tpu.memory_space<hbm>>) dst(%arg12 : memref<40x128xi32, #tpu.memory_space<vmem>>)
      tpu.yield
    }) : () -> ()
    %mul3A_13 = arith.constant 80 : i32
    %mul3A_14 = arith.muli %arg1, %mul3A_13 : i32
    %add3A_15 = arith.constant 0 : i32
    %add3A_16 = arith.addi %mul3A_14, %add3A_15 : i32
    "tpu.region"() ({
      %run_scoped3A_67 = tpu.sem_alloc : memref<!tpu.dma_semaphore, #tpu.memory_space<semaphore_mem>>
      %dma_start3A_68 = arith.constant 0 : i32
      %dma_start3A_69 = tpu.memref_slice %arg4[%arg0, %add3A_16, %dma_start3A_68] : memref<2x1280x128xi32, #tpu.memory_space<hbm>> -> memref<1x40x128xi32, #tpu.memory_space<hbm>>
      %dma_start3A_70 = tpu.memref_squeeze %dma_start3A_69 : memref<1x40x128xi32, #tpu.memory_space<hbm>> -> memref<40x128xi32, #tpu.memory_space<hbm>>
      %dma_start3A_71 = arith.constant 0 : i32
      %dma_start3A_72 = tpu.memref_slice %arg4[%arg0, %add3A_16, %dma_start3A_71] : memref<2x1280x128xi32, #tpu.memory_space<hbm>> -> memref<1x40x128xi32, #tpu.memory_space<hbm>>
      %dma_start3A_73 = tpu.memref_squeeze %dma_start3A_72 : memref<1x40x128xi32, #tpu.memory_space<hbm>> -> memref<40x128xi32, #tpu.memory_space<hbm>>
      tpu.enqueue_dma source(%dma_start3A_73 : memref<40x128xi32, #tpu.memory_space<hbm>>) target(%arg13 : memref<40x128xi32, #tpu.memory_space<vmem>>) target_semaphore(%run_scoped3A_67 : memref<!tpu.dma_semaphore, #tpu.memory_space<semaphore_mem>>)
      %dma_wait3A = arith.constant 0 : i32
      %dma_wait3A_74 = tpu.memref_slice %arg4[%arg0, %add3A_16, %dma_wait3A] : memref<2x1280x128xi32, #tpu.memory_space<hbm>> -> memref<1x40x128xi32, #tpu.memory_space<hbm>>
      %dma_wait3A_75 = tpu.memref_squeeze %dma_wait3A_74 : memref<1x40x128xi32, #tpu.memory_space<hbm>> -> memref<40x128xi32, #tpu.memory_space<hbm>>
      %dma_wait3A_76 = arith.constant 0 : i32
      %dma_wait3A_77 = tpu.memref_slice %arg4[%arg0, %add3A_16, %dma_wait3A_76] : memref<2x1280x128xi32, #tpu.memory_space<hbm>> -> memref<1x40x128xi32, #tpu.memory_space<hbm>>
      %dma_wait3A_78 = tpu.memref_squeeze %dma_wait3A_77 : memref<1x40x128xi32, #tpu.memory_space<hbm>> -> memref<40x128xi32, #tpu.memory_space<hbm>>
      tpu.wait_dma2 semaphore(%run_scoped3A_67 : memref<!tpu.dma_semaphore, #tpu.memory_space<semaphore_mem>>) src(%dma_wait3A_78 : memref<40x128xi32, #tpu.memory_space<hbm>>) dst(%arg13 : memref<40x128xi32, #tpu.memory_space<vmem>>)
      tpu.yield
    }) : () -> ()
    %dma_start3A = arith.constant 0 : i32
    %dma_start3A_17 = arith.constant 0 : i32
    %dma_start3A_18 = arith.constant 0 : i32
    %dma_start3A_19 = arith.constant 0 : i32
    %dma_start3A_20 = tpu.memref_slice %arg14[%dma_start3A_17, %dma_start3A_18, %dma_start3A_19] : memref<2x128x128xf32, #tpu.memory_space<vmem>> -> memref<1x128x128xf32, #tpu.memory_space<vmem>>
    %dma_start3A_21 = tpu.memref_squeeze %dma_start3A_20 : memref<1x128x128xf32, #tpu.memory_space<vmem>> -> memref<128x128xf32, #tpu.memory_space<vmem>>
    %dma_start3A_22 = arith.constant 0 : i32
    %dma_start3A_23 = tpu.memref_slice %arg12[%dma_start3A, %dma_start3A_22] : memref<40x128xi32, #tpu.memory_space<vmem>> -> memref<1x128xi32, #tpu.memory_space<vmem>>
    %dma_start3A_24 = tpu.memref_squeeze %dma_start3A_23 : memref<1x128xi32, #tpu.memory_space<vmem>> -> memref<128xi32, #tpu.memory_space<vmem>>
    %dma_start3A_25 = arith.constant 0 : i32
    %dma_start3A_26 = arith.constant 0 : i32
    %dma_start3A_27 = tpu.memref_slice %arg2[%dma_start3A_25, %dma_start3A_26] : memref<10000x128xf32, #tpu.memory_space<hbm>> -> memref<10000x128xf32, #tpu.memory_space<hbm>>
    tpu.enqueue_indirect_dma source(%dma_start3A_27 : memref<10000x128xf32, #tpu.memory_space<hbm>>) target(%dma_start3A_21 : memref<128x128xf32, #tpu.memory_space<vmem>>) offsets(%dma_start3A_24 : memref<128xi32, #tpu.memory_space<vmem>>) semaphore(%arg16 : memref<!tpu.dma_semaphore, #tpu.memory_space<semaphore_mem>>)
    %scan3A_28 = arith.constant 0 : i32
    %scan3A_29 = arith.constant 0 : i32
    %scan3A_30 = arith.constant 40 : i32
    %scan3A_31 = arith.addi %scan3A_29, %scan3A_30 : i32
    %scan3A_32 = arith.constant 1 : i32
    scf.for %scan3A_67 = %scan3A_29 to %scan3A_31 step %scan3A_32  : i32 {
      %rem3A = arith.constant 2 : i32
      %rem3A_68 = arith.remsi %scan3A_67, %rem3A : i32
      %dma_wait3A = arith.constant 0 : i32
      %dma_wait3A_69 = arith.constant 0 : i32
      %dma_wait3A_70 = tpu.memref_slice %arg14[%rem3A_68, %dma_wait3A, %dma_wait3A_69] : memref<2x128x128xf32, #tpu.memory_space<vmem>> -> memref<1x128x128xf32, #tpu.memory_space<vmem>>
      %dma_wait3A_71 = tpu.memref_squeeze %dma_wait3A_70 : memref<1x128x128xf32, #tpu.memory_space<vmem>> -> memref<128x128xf32, #tpu.memory_space<vmem>>
      %dma_wait3A_72 = arith.constant 0 : i32
      %dma_wait3A_73 = arith.constant 0 : i32
      %dma_wait3A_74 = tpu.memref_slice %arg2[%dma_wait3A_72, %dma_wait3A_73] : memref<10000x128xf32, #tpu.memory_space<hbm>> -> memref<128x128xf32, #tpu.memory_space<hbm>>
      %dma_wait3A_75 = arith.constant 0 : i32
      %dma_wait3A_76 = arith.constant 0 : i32
      %dma_wait3A_77 = tpu.memref_slice %arg14[%rem3A_68, %dma_wait3A_75, %dma_wait3A_76] : memref<2x128x128xf32, #tpu.memory_space<vmem>> -> memref<1x128x128xf32, #tpu.memory_space<vmem>>
      %dma_wait3A_78 = tpu.memref_squeeze %dma_wait3A_77 : memref<1x128x128xf32, #tpu.memory_space<vmem>> -> memref<128x128xf32, #tpu.memory_space<vmem>>
      %dma_wait3A_79 = arith.constant 0 : i32
      %dma_wait3A_80 = arith.constant 0 : i32
      %dma_wait3A_81 = tpu.memref_slice %arg2[%dma_wait3A_79, %dma_wait3A_80] : memref<10000x128xf32, #tpu.memory_space<hbm>> -> memref<128x128xf32, #tpu.memory_space<hbm>>
      tpu.wait_dma2 semaphore(%arg16 : memref<!tpu.dma_semaphore, #tpu.memory_space<semaphore_mem>>) src(%dma_wait3A_81 : memref<128x128xf32, #tpu.memory_space<hbm>>) dst(%dma_wait3A_78 : memref<128x128xf32, #tpu.memory_space<vmem>>)
      %dma_start3A_82 = arith.constant 0 : i32
      %dma_start3A_83 = tpu.memref_slice %arg13[%scan3A_67, %dma_start3A_82] : memref<40x128xi32, #tpu.memory_space<vmem>> -> memref<1x128xi32, #tpu.memory_space<vmem>>
      %dma_start3A_84 = tpu.memref_squeeze %dma_start3A_83 : memref<1x128xi32, #tpu.memory_space<vmem>> -> memref<128xi32, #tpu.memory_space<vmem>>
      %dma_start3A_85 = arith.constant 0 : i32
      %dma_start3A_86 = tpu.memref_slice %arg11[%dma_start3A_85] : memref<10240xf32, #tpu.memory_space<vmem_shared>> -> memref<10240xf32, #tpu.memory_space<vmem_shared>>
      tpu.enqueue_indirect_dma source(%arg15 : memref<128xf32, #tpu.memory_space<vmem>>) target(%dma_start3A_86 : memref<10240xf32, #tpu.memory_space<vmem_shared>>) offsets(%dma_start3A_84 : memref<128xi32, #tpu.memory_space<vmem>>) semaphore(%arg18 : memref<!tpu.dma_semaphore, #tpu.memory_space<semaphore_mem>>) {add = true}
      %add3A_87 = arith.constant 1 : i32
      %add3A_88 = arith.addi %scan3A_67, %add3A_87 : i32
      %lt3A_89 = arith.constant 40 : i32
      %lt3A_90 = arith.cmpi slt, %add3A_88, %lt3A_89 : i32
      %convert_element_type3A_91 = arith.extui %lt3A_90 : i1 to i32
      %cond3A_92 = arith.constant 0 : i32
      %cond3A_93 = arith.cmpi ne, %convert_element_type3A_91, %cond3A_92 : i32
      scf.if %cond3A_93 {
        %add3A_98 = arith.constant 1 : i32
        %add3A_99 = arith.addi %scan3A_67, %add3A_98 : i32
        %sub3A = arith.constant 1 : i32
        %sub3A_100 = arith.subi %sub3A, %rem3A_68 : i32
        %dma_start3A_101 = arith.constant 0 : i32
        %dma_start3A_102 = arith.constant 0 : i32
        %dma_start3A_103 = tpu.memref_slice %arg14[%sub3A_100, %dma_start3A_101, %dma_start3A_102] : memref<2x128x128xf32, #tpu.memory_space<vmem>> -> memref<1x128x128xf32, #tpu.memory_space<vmem>>
        %dma_start3A_104 = tpu.memref_squeeze %dma_start3A_103 : memref<1x128x128xf32, #tpu.memory_space<vmem>> -> memref<128x128xf32, #tpu.memory_space<vmem>>
        %dma_start3A_105 = arith.constant 0 : i32
        %dma_start3A_106 = tpu.memref_slice %arg12[%add3A_99, %dma_start3A_105] : memref<40x128xi32, #tpu.memory_space<vmem>> -> memref<1x128xi32, #tpu.memory_space<vmem>>
        %dma_start3A_107 = tpu.memref_squeeze %dma_start3A_106 : memref<1x128xi32, #tpu.memory_space<vmem>> -> memref<128xi32, #tpu.memory_space<vmem>>
        %dma_start3A_108 = arith.constant 0 : i32
        %dma_start3A_109 = arith.constant 0 : i32
        %dma_start3A_110 = tpu.memref_slice %arg2[%dma_start3A_108, %dma_start3A_109] : memref<10000x128xf32, #tpu.memory_space<hbm>> -> memref<10000x128xf32, #tpu.memory_space<hbm>>
        tpu.enqueue_indirect_dma source(%dma_start3A_110 : memref<10000x128xf32, #tpu.memory_space<hbm>>) target(%dma_start3A_104 : memref<128x128xf32, #tpu.memory_space<vmem>>) offsets(%dma_start3A_107 : memref<128xi32, #tpu.memory_space<vmem>>) semaphore(%arg16 : memref<!tpu.dma_semaphore, #tpu.memory_space<semaphore_mem>>)
      } else {
      }
      %dma_wait3A_94 = arith.constant 0 : i32
      %dma_wait3A_95 = tpu.memref_slice %arg11[%dma_wait3A_94] : memref<10240xf32, #tpu.memory_space<vmem_shared>> -> memref<128xf32, #tpu.memory_space<vmem_shared>>
      %dma_wait3A_96 = arith.constant 0 : i32
      %dma_wait3A_97 = tpu.memref_slice %arg6[%dma_wait3A_96] : memref<10240xf32, #tpu.memory_space<hbm>> -> memref<128xf32, #tpu.memory_space<hbm>>
      tpu.wait_dma2 semaphore(%arg18 : memref<!tpu.dma_semaphore, #tpu.memory_space<semaphore_mem>>) src(%dma_wait3A_97 : memref<128xf32, #tpu.memory_space<hbm>>) dst(%dma_wait3A_95 : memref<128xf32, #tpu.memory_space<vmem_shared>>)
    }
    %scan3A_33 = arith.constant 40 : i32
    %mul3A_34 = arith.constant 80 : i32
    %mul3A_35 = arith.muli %arg1, %mul3A_34 : i32
    %add3A_36 = arith.constant 40 : i32
    %add3A_37 = arith.addi %mul3A_35, %add3A_36 : i32
    "tpu.region"() ({
      %run_scoped3A_67 = tpu.sem_alloc : memref<!tpu.dma_semaphore, #tpu.memory_space<semaphore_mem>>
      %dma_start3A_68 = arith.constant 0 : i32
      %dma_start3A_69 = tpu.memref_slice %arg3[%arg0, %add3A_37, %dma_start3A_68] : memref<2x1280x128xi32, #tpu.memory_space<hbm>> -> memref<1x40x128xi32, #tpu.memory_space<hbm>>
      %dma_start3A_70 = tpu.memref_squeeze %dma_start3A_69 : memref<1x40x128xi32, #tpu.memory_space<hbm>> -> memref<40x128xi32, #tpu.memory_space<hbm>>
      %dma_start3A_71 = arith.constant 0 : i32
      %dma_start3A_72 = tpu.memref_slice %arg3[%arg0, %add3A_37, %dma_start3A_71] : memref<2x1280x128xi32, #tpu.memory_space<hbm>> -> memref<1x40x128xi32, #tpu.memory_space<hbm>>
      %dma_start3A_73 = tpu.memref_squeeze %dma_start3A_72 : memref<1x40x128xi32, #tpu.memory_space<hbm>> -> memref<40x128xi32, #tpu.memory_space<hbm>>
      tpu.enqueue_dma source(%dma_start3A_73 : memref<40x128xi32, #tpu.memory_space<hbm>>) target(%arg12 : memref<40x128xi32, #tpu.memory_space<vmem>>) target_semaphore(%run_scoped3A_67 : memref<!tpu.dma_semaphore, #tpu.memory_space<semaphore_mem>>)
      %dma_wait3A = arith.constant 0 : i32
      %dma_wait3A_74 = tpu.memref_slice %arg3[%arg0, %add3A_37, %dma_wait3A] : memref<2x1280x128xi32, #tpu.memory_space<hbm>> -> memref<1x40x128xi32, #tpu.memory_space<hbm>>
      %dma_wait3A_75 = tpu.memref_squeeze %dma_wait3A_74 : memref<1x40x128xi32, #tpu.memory_space<hbm>> -> memref<40x128xi32, #tpu.memory_space<hbm>>
      %dma_wait3A_76 = arith.constant 0 : i32
      %dma_wait3A_77 = tpu.memref_slice %arg3[%arg0, %add3A_37, %dma_wait3A_76] : memref<2x1280x128xi32, #tpu.memory_space<hbm>> -> memref<1x40x128xi32, #tpu.memory_space<hbm>>
      %dma_wait3A_78 = tpu.memref_squeeze %dma_wait3A_77 : memref<1x40x128xi32, #tpu.memory_space<hbm>> -> memref<40x128xi32, #tpu.memory_space<hbm>>
      tpu.wait_dma2 semaphore(%run_scoped3A_67 : memref<!tpu.dma_semaphore, #tpu.memory_space<semaphore_mem>>) src(%dma_wait3A_78 : memref<40x128xi32, #tpu.memory_space<hbm>>) dst(%arg12 : memref<40x128xi32, #tpu.memory_space<vmem>>)
      tpu.yield
    }) : () -> ()
    %mul3A_38 = arith.constant 80 : i32
    %mul3A_39 = arith.muli %arg1, %mul3A_38 : i32
    %add3A_40 = arith.constant 40 : i32
    %add3A_41 = arith.addi %mul3A_39, %add3A_40 : i32
    "tpu.region"() ({
      %run_scoped3A_67 = tpu.sem_alloc : memref<!tpu.dma_semaphore, #tpu.memory_space<semaphore_mem>>
      %dma_start3A_68 = arith.constant 0 : i32
      %dma_start3A_69 = tpu.memref_slice %arg4[%arg0, %add3A_41, %dma_start3A_68] : memref<2x1280x128xi32, #tpu.memory_space<hbm>> -> memref<1x40x128xi32, #tpu.memory_space<hbm>>
      %dma_start3A_70 = tpu.memref_squeeze %dma_start3A_69 : memref<1x40x128xi32, #tpu.memory_space<hbm>> -> memref<40x128xi32, #tpu.memory_space<hbm>>
      %dma_start3A_71 = arith.constant 0 : i32
      %dma_start3A_72 = tpu.memref_slice %arg4[%arg0, %add3A_41, %dma_start3A_71] : memref<2x1280x128xi32, #tpu.memory_space<hbm>> -> memref<1x40x128xi32, #tpu.memory_space<hbm>>
      %dma_start3A_73 = tpu.memref_squeeze %dma_start3A_72 : memref<1x40x128xi32, #tpu.memory_space<hbm>> -> memref<40x128xi32, #tpu.memory_space<hbm>>
      tpu.enqueue_dma source(%dma_start3A_73 : memref<40x128xi32, #tpu.memory_space<hbm>>) target(%arg13 : memref<40x128xi32, #tpu.memory_space<vmem>>) target_semaphore(%run_scoped3A_67 : memref<!tpu.dma_semaphore, #tpu.memory_space<semaphore_mem>>)
      %dma_wait3A = arith.constant 0 : i32
      %dma_wait3A_74 = tpu.memref_slice %arg4[%arg0, %add3A_41, %dma_wait3A] : memref<2x1280x128xi32, #tpu.memory_space<hbm>> -> memref<1x40x128xi32, #tpu.memory_space<hbm>>
      %dma_wait3A_75 = tpu.memref_squeeze %dma_wait3A_74 : memref<1x40x128xi32, #tpu.memory_space<hbm>> -> memref<40x128xi32, #tpu.memory_space<hbm>>
      %dma_wait3A_76 = arith.constant 0 : i32
      %dma_wait3A_77 = tpu.memref_slice %arg4[%arg0, %add3A_41, %dma_wait3A_76] : memref<2x1280x128xi32, #tpu.memory_space<hbm>> -> memref<1x40x128xi32, #tpu.memory_space<hbm>>
      %dma_wait3A_78 = tpu.memref_squeeze %dma_wait3A_77 : memref<1x40x128xi32, #tpu.memory_space<hbm>> -> memref<40x128xi32, #tpu.memory_space<hbm>>
      tpu.wait_dma2 semaphore(%run_scoped3A_67 : memref<!tpu.dma_semaphore, #tpu.memory_space<semaphore_mem>>) src(%dma_wait3A_78 : memref<40x128xi32, #tpu.memory_space<hbm>>) dst(%arg13 : memref<40x128xi32, #tpu.memory_space<vmem>>)
      tpu.yield
    }) : () -> ()
    %dma_start3A_42 = arith.constant 0 : i32
    %dma_start3A_43 = arith.constant 0 : i32
    %dma_start3A_44 = arith.constant 0 : i32
    %dma_start3A_45 = arith.constant 0 : i32
    %dma_start3A_46 = tpu.memref_slice %arg14[%dma_start3A_43, %dma_start3A_44, %dma_start3A_45] : memref<2x128x128xf32, #tpu.memory_space<vmem>> -> memref<1x128x128xf32, #tpu.memory_space<vmem>>
    %dma_start3A_47 = tpu.memref_squeeze %dma_start3A_46 : memref<1x128x128xf32, #tpu.memory_space<vmem>> -> memref<128x128xf32, #tpu.memory_space<vmem>>
    %dma_start3A_48 = arith.constant 0 : i32
    %dma_start3A_49 = tpu.memref_slice %arg12[%dma_start3A_42, %dma_start3A_48] : memref<40x128xi32, #tpu.memory_space<vmem>> -> memref<1x128xi32, #tpu.memory_space<vmem>>
    %dma_start3A_50 = tpu.memref_squeeze %dma_start3A_49 : memref<1x128xi32, #tpu.memory_space<vmem>> -> memref<128xi32, #tpu.memory_space<vmem>>
    %dma_start3A_51 = arith.constant 0 : i32
    %dma_start3A_52 = arith.constant 0 : i32
    %dma_start3A_53 = tpu.memref_slice %arg2[%dma_start3A_51, %dma_start3A_52] : memref<10000x128xf32, #tpu.memory_space<hbm>> -> memref<10000x128xf32, #tpu.memory_space<hbm>>
    tpu.enqueue_indirect_dma source(%dma_start3A_53 : memref<10000x128xf32, #tpu.memory_space<hbm>>) target(%dma_start3A_47 : memref<128x128xf32, #tpu.memory_space<vmem>>) offsets(%dma_start3A_50 : memref<128xi32, #tpu.memory_space<vmem>>) semaphore(%arg16 : memref<!tpu.dma_semaphore, #tpu.memory_space<semaphore_mem>>)
    %scan3A_54 = arith.constant 0 : i32
    %scan3A_55 = arith.constant 0 : i32
    %scan3A_56 = arith.constant 40 : i32
    %scan3A_57 = arith.addi %scan3A_55, %scan3A_56 : i32
    %scan3A_58 = arith.constant 1 : i32
    scf.for %scan3A_67 = %scan3A_55 to %scan3A_57 step %scan3A_58  : i32 {
      %rem3A = arith.constant 2 : i32
      %rem3A_68 = arith.remsi %scan3A_67, %rem3A : i32
      %dma_wait3A = arith.constant 0 : i32
      %dma_wait3A_69 = arith.constant 0 : i32
      %dma_wait3A_70 = tpu.memref_slice %arg14[%rem3A_68, %dma_wait3A, %dma_wait3A_69] : memref<2x128x128xf32, #tpu.memory_space<vmem>> -> memref<1x128x128xf32, #tpu.memory_space<vmem>>
      %dma_wait3A_71 = tpu.memref_squeeze %dma_wait3A_70 : memref<1x128x128xf32, #tpu.memory_space<vmem>> -> memref<128x128xf32, #tpu.memory_space<vmem>>
      %dma_wait3A_72 = arith.constant 0 : i32
      %dma_wait3A_73 = arith.constant 0 : i32
      %dma_wait3A_74 = tpu.memref_slice %arg2[%dma_wait3A_72, %dma_wait3A_73] : memref<10000x128xf32, #tpu.memory_space<hbm>> -> memref<128x128xf32, #tpu.memory_space<hbm>>
      %dma_wait3A_75 = arith.constant 0 : i32
      %dma_wait3A_76 = arith.constant 0 : i32
      %dma_wait3A_77 = tpu.memref_slice %arg14[%rem3A_68, %dma_wait3A_75, %dma_wait3A_76] : memref<2x128x128xf32, #tpu.memory_space<vmem>> -> memref<1x128x128xf32, #tpu.memory_space<vmem>>
      %dma_wait3A_78 = tpu.memref_squeeze %dma_wait3A_77 : memref<1x128x128xf32, #tpu.memory_space<vmem>> -> memref<128x128xf32, #tpu.memory_space<vmem>>
      %dma_wait3A_79 = arith.constant 0 : i32
      %dma_wait3A_80 = arith.constant 0 : i32
      %dma_wait3A_81 = tpu.memref_slice %arg2[%dma_wait3A_79, %dma_wait3A_80] : memref<10000x128xf32, #tpu.memory_space<hbm>> -> memref<128x128xf32, #tpu.memory_space<hbm>>
      tpu.wait_dma2 semaphore(%arg16 : memref<!tpu.dma_semaphore, #tpu.memory_space<semaphore_mem>>) src(%dma_wait3A_81 : memref<128x128xf32, #tpu.memory_space<hbm>>) dst(%dma_wait3A_78 : memref<128x128xf32, #tpu.memory_space<vmem>>)
      %dma_start3A_82 = arith.constant 0 : i32
      %dma_start3A_83 = tpu.memref_slice %arg13[%scan3A_67, %dma_start3A_82] : memref<40x128xi32, #tpu.memory_space<vmem>> -> memref<1x128xi32, #tpu.memory_space<vmem>>
      %dma_start3A_84 = tpu.memref_squeeze %dma_start3A_83 : memref<1x128xi32, #tpu.memory_space<vmem>> -> memref<128xi32, #tpu.memory_space<vmem>>
      %dma_start3A_85 = arith.constant 0 : i32
      %dma_start3A_86 = tpu.memref_slice %arg11[%dma_start3A_85] : memref<10240xf32, #tpu.memory_space<vmem_shared>> -> memref<10240xf32, #tpu.memory_space<vmem_shared>>
      tpu.enqueue_indirect_dma source(%arg15 : memref<128xf32, #tpu.memory_space<vmem>>) target(%dma_start3A_86 : memref<10240xf32, #tpu.memory_space<vmem_shared>>) offsets(%dma_start3A_84 : memref<128xi32, #tpu.memory_space<vmem>>) semaphore(%arg18 : memref<!tpu.dma_semaphore, #tpu.memory_space<semaphore_mem>>) {add = true}
      %add3A_87 = arith.constant 1 : i32
      %add3A_88 = arith.addi %scan3A_67, %add3A_87 : i32
      %lt3A_89 = arith.constant 40 : i32
      %lt3A_90 = arith.cmpi slt, %add3A_88, %lt3A_89 : i32
      %convert_element_type3A_91 = arith.extui %lt3A_90 : i1 to i32
      %cond3A_92 = arith.constant 0 : i32
      %cond3A_93 = arith.cmpi ne, %convert_element_type3A_91, %cond3A_92 : i32
      scf.if %cond3A_93 {
        %add3A_98 = arith.constant 1 : i32
        %add3A_99 = arith.addi %scan3A_67, %add3A_98 : i32
        %sub3A = arith.constant 1 : i32
        %sub3A_100 = arith.subi %sub3A, %rem3A_68 : i32
        %dma_start3A_101 = arith.constant 0 : i32
        %dma_start3A_102 = arith.constant 0 : i32
        %dma_start3A_103 = tpu.memref_slice %arg14[%sub3A_100, %dma_start3A_101, %dma_start3A_102] : memref<2x128x128xf32, #tpu.memory_space<vmem>> -> memref<1x128x128xf32, #tpu.memory_space<vmem>>
        %dma_start3A_104 = tpu.memref_squeeze %dma_start3A_103 : memref<1x128x128xf32, #tpu.memory_space<vmem>> -> memref<128x128xf32, #tpu.memory_space<vmem>>
        %dma_start3A_105 = arith.constant 0 : i32
        %dma_start3A_106 = tpu.memref_slice %arg12[%add3A_99, %dma_start3A_105] : memref<40x128xi32, #tpu.memory_space<vmem>> -> memref<1x128xi32, #tpu.memory_space<vmem>>
        %dma_start3A_107 = tpu.memref_squeeze %dma_start3A_106 : memref<1x128xi32, #tpu.memory_space<vmem>> -> memref<128xi32, #tpu.memory_space<vmem>>
        %dma_start3A_108 = arith.constant 0 : i32
        %dma_start3A_109 = arith.constant 0 : i32
        %dma_start3A_110 = tpu.memref_slice %arg2[%dma_start3A_108, %dma_start3A_109] : memref<10000x128xf32, #tpu.memory_space<hbm>> -> memref<10000x128xf32, #tpu.memory_space<hbm>>
        tpu.enqueue_indirect_dma source(%dma_start3A_110 : memref<10000x128xf32, #tpu.memory_space<hbm>>) target(%dma_start3A_104 : memref<128x128xf32, #tpu.memory_space<vmem>>) offsets(%dma_start3A_107 : memref<128xi32, #tpu.memory_space<vmem>>) semaphore(%arg16 : memref<!tpu.dma_semaphore, #tpu.memory_space<semaphore_mem>>)
      } else {
      }
      %dma_wait3A_94 = arith.constant 0 : i32
      %dma_wait3A_95 = tpu.memref_slice %arg11[%dma_wait3A_94] : memref<10240xf32, #tpu.memory_space<vmem_shared>> -> memref<128xf32, #tpu.memory_space<vmem_shared>>
      %dma_wait3A_96 = arith.constant 0 : i32
      %dma_wait3A_97 = tpu.memref_slice %arg6[%dma_wait3A_96] : memref<10240xf32, #tpu.memory_space<hbm>> -> memref<128xf32, #tpu.memory_space<hbm>>
      tpu.wait_dma2 semaphore(%arg18 : memref<!tpu.dma_semaphore, #tpu.memory_space<semaphore_mem>>) src(%dma_wait3A_97 : memref<128xf32, #tpu.memory_space<hbm>>) dst(%dma_wait3A_95 : memref<128xf32, #tpu.memory_space<vmem_shared>>)
    }
    %scan3A_59 = arith.constant 40 : i32
    %barrier3A_60 = arith.constant 0 : index
    tpu.barrier barrier_id(%barrier3A_60)
    %lt3A = arith.constant 10 : i32
    %lt3A_61 = arith.cmpi slt, %arg1, %lt3A : i32
    %convert_element_type3A = arith.extui %lt3A_61 : i1 to i32
    %cond3A = arith.constant 0 : i32
    %cond3A_62 = arith.cmpi ne, %convert_element_type3A, %cond3A : i32
    scf.if %cond3A_62 {
      %mul3A_67 = arith.constant 1000 : i32
      %mul3A_68 = arith.muli %arg1, %mul3A_67 : i32
      "tpu.region"() ({
        %run_scoped3A_69 = tpu.sem_alloc : memref<!tpu.dma_semaphore, #tpu.memory_space<semaphore_mem>>
        %dma_start3A_70 = arith.constant 0 : i32
        %dma_start3A_71 = tpu.memref_slice %arg8[%arg0, %mul3A_68, %dma_start3A_70] : memref<2x10000x128xf32, #tpu.memory_space<hbm>> -> memref<1x1000x128xf32, #tpu.memory_space<hbm>>
        %dma_start3A_72 = tpu.memref_squeeze %dma_start3A_71 : memref<1x1000x128xf32, #tpu.memory_space<hbm>> -> memref<1000x128xf32, #tpu.memory_space<hbm>>
        %dma_start3A_73 = arith.constant 0 : i32
        %dma_start3A_74 = tpu.memref_slice %arg10[%mul3A_68, %dma_start3A_73] : memref<10240x128xf32, #tpu.memory_space<vmem_shared>> -> memref<1000x128xf32, #tpu.memory_space<vmem_shared>>
        tpu.enqueue_dma source(%dma_start3A_74 : memref<1000x128xf32, #tpu.memory_space<vmem_shared>>) target(%dma_start3A_72 : memref<1000x128xf32, #tpu.memory_space<hbm>>) target_semaphore(%run_scoped3A_69 : memref<!tpu.dma_semaphore, #tpu.memory_space<semaphore_mem>>)
        %dma_wait3A = arith.constant 0 : i32
        %dma_wait3A_75 = tpu.memref_slice %arg8[%arg0, %mul3A_68, %dma_wait3A] : memref<2x10000x128xf32, #tpu.memory_space<hbm>> -> memref<1x1000x128xf32, #tpu.memory_space<hbm>>
        %dma_wait3A_76 = tpu.memref_squeeze %dma_wait3A_75 : memref<1x1000x128xf32, #tpu.memory_space<hbm>> -> memref<1000x128xf32, #tpu.memory_space<hbm>>
        %dma_wait3A_77 = arith.constant 0 : i32
        %dma_wait3A_78 = tpu.memref_slice %arg10[%mul3A_68, %dma_wait3A_77] : memref<10240x128xf32, #tpu.memory_space<vmem_shared>> -> memref<1000x128xf32, #tpu.memory_space<vmem_shared>>
        tpu.wait_dma2 semaphore(%run_scoped3A_69 : memref<!tpu.dma_semaphore, #tpu.memory_space<semaphore_mem>>) src(%dma_wait3A_78 : memref<1000x128xf32, #tpu.memory_space<vmem_shared>>) dst(%dma_wait3A_76 : memref<1000x128xf32, #tpu.memory_space<hbm>>)
        tpu.yield
      }) : () -> ()
    } else {
    }
    %mul3A_63 = arith.constant 640 : i32
    %mul3A_64 = arith.muli %arg1, %mul3A_63 : i32
    %mul3A_65 = arith.constant 640 : i32
    %mul3A_66 = arith.muli %arg1, %mul3A_65 : i32
    "tpu.region"() ({
      %run_scoped3A_67 = tpu.sem_alloc : memref<!tpu.dma_semaphore, #tpu.memory_space<semaphore_mem>>
      %dma_start3A_68 = tpu.memref_slice %arg9[%arg0, %mul3A_66] : memref<2x10240xf32, #tpu.memory_space<hbm>> -> memref<1x640xf32, #tpu.memory_space<hbm>>
      %dma_start3A_69 = tpu.memref_squeeze %dma_start3A_68 : memref<1x640xf32, #tpu.memory_space<hbm>> -> memref<640xf32, #tpu.memory_space<hbm>>
      %dma_start3A_70 = tpu.memref_slice %arg11[%mul3A_64] : memref<10240xf32, #tpu.memory_space<vmem_shared>> -> memref<640xf32, #tpu.memory_space<vmem_shared>>
      tpu.enqueue_dma source(%dma_start3A_70 : memref<640xf32, #tpu.memory_space<vmem_shared>>) target(%dma_start3A_69 : memref<640xf32, #tpu.memory_space<hbm>>) target_semaphore(%run_scoped3A_67 : memref<!tpu.dma_semaphore, #tpu.memory_space<semaphore_mem>>)
      %dma_wait3A = tpu.memref_slice %arg9[%arg0, %mul3A_66] : memref<2x10240xf32, #tpu.memory_space<hbm>> -> memref<1x640xf32, #tpu.memory_space<hbm>>
      %dma_wait3A_71 = tpu.memref_squeeze %dma_wait3A : memref<1x640xf32, #tpu.memory_space<hbm>> -> memref<640xf32, #tpu.memory_space<hbm>>
      %dma_wait3A_72 = tpu.memref_slice %arg11[%mul3A_64] : memref<10240xf32, #tpu.memory_space<vmem_shared>> -> memref<640xf32, #tpu.memory_space<vmem_shared>>
      tpu.wait_dma2 semaphore(%run_scoped3A_67 : memref<!tpu.dma_semaphore, #tpu.memory_space<semaphore_mem>>) src(%dma_wait3A_72 : memref<640xf32, #tpu.memory_space<vmem_shared>>) dst(%dma_wait3A_71 : memref<640xf32, #tpu.memory_space<hbm>>)
      tpu.yield
    }) : () -> ()
    return
  }
}

module attributes {stable_mosaic.version = 14 : i64} {
  func.func @_tc_body(%arg0: i32, %arg1: memref<2x1000x128xf32, #tpu.memory_space<vmem>>, %arg2: memref<1000x128xf32, #tpu.memory_space<vmem>>, %arg3: memref<1000x8xf32, #tpu.memory_space<vmem>>, %arg4: memref<256x128xf32, #tpu.memory_space<vmem>>, %arg5: memref<8x128xf32, #tpu.memory_space<vmem>>, %arg6: memref<128x384xf32, #tpu.memory_space<vmem>>, %arg7: memref<128x384xf32, #tpu.memory_space<vmem>>, %arg8: memref<1x384xf32, #tpu.memory_space<vmem>>, %arg9: memref<1x384xf32, #tpu.memory_space<vmem>>, %arg10: memref<128x128xf32, #tpu.memory_space<vmem>>, %arg11: memref<1x128xf32, #tpu.memory_space<vmem>>, %arg12: memref<1000x128xf32, #tpu.memory_space<vmem>>) attributes {dimension_semantics = [#tpu.dimension_semantics<arbitrary>], iteration_bounds = array<i64: 10>, scalar_prefetch = 0 : i64, scratch_operands = 0 : i64, tpu.core_type = #tpu.core_type<tc>, window_params = [{transform_indices = @transform_0, window_bounds = array<i64: 2, 1000, 128>}, {transform_indices = @transform_1, window_bounds = array<i64: 1000, 128>}, {transform_indices = @transform_2, window_bounds = array<i64: 1000, 8>}, {pipeline_mode = #tpu.pipeline_mode<synchronous>, transform_indices = @transform_3, window_bounds = array<i64: 256, 128>}, {pipeline_mode = #tpu.pipeline_mode<synchronous>, transform_indices = @transform_4, window_bounds = array<i64: 8, 128>}, {pipeline_mode = #tpu.pipeline_mode<synchronous>, transform_indices = @transform_5, window_bounds = array<i64: 128, 384>}, {pipeline_mode = #tpu.pipeline_mode<synchronous>, transform_indices = @transform_6, window_bounds = array<i64: 128, 384>}, {pipeline_mode = #tpu.pipeline_mode<synchronous>, transform_indices = @transform_7, window_bounds = array<i64: 1, 384>}, {pipeline_mode = #tpu.pipeline_mode<synchronous>, transform_indices = @transform_8, window_bounds = array<i64: 1, 384>}, {pipeline_mode = #tpu.pipeline_mode<synchronous>, transform_indices = @transform_9, window_bounds = array<i64: 128, 128>}, {pipeline_mode = #tpu.pipeline_mode<synchronous>, transform_indices = @transform_10, window_bounds = array<i64: 1, 128>}, {transform_indices = @transform_11, window_bounds = array<i64: 1000, 128>}]} {
    %get3A = arith.constant 0 : index
    %get3A_0 = arith.constant 0 : index
    %get3A_1 = arith.constant 0 : index
    %get3A_2 = vector.load %arg1[%get3A, %get3A_0, %get3A_1] : memref<2x1000x128xf32, #tpu.memory_space<vmem>>, vector<1x1000x128xf32>
    %get3A_3 = vector.shape_cast %get3A_2 : vector<1x1000x128xf32> to vector<1000x128xf32>
    %get3A_4 = arith.constant 1 : index
    %get3A_5 = arith.constant 0 : index
    %get3A_6 = arith.constant 0 : index
    %get3A_7 = vector.load %arg1[%get3A_4, %get3A_5, %get3A_6] : memref<2x1000x128xf32, #tpu.memory_space<vmem>>, vector<1x1000x128xf32>
    %get3A_8 = vector.shape_cast %get3A_7 : vector<1x1000x128xf32> to vector<1000x128xf32>
    %concatenate3A = tpu.concatenate %get3A_3, %get3A_8 in 1 : vector<1000x128xf32>, vector<1000x128xf32> -> vector<1000x256xf32>
    %get3A_9 = arith.constant 0 : index
    %get3A_10 = arith.constant 0 : index
    %get3A_11 = vector.load %arg4[%get3A_9, %get3A_10] : memref<256x128xf32, #tpu.memory_space<vmem>>, vector<256x128xf32>
    %dot_general3A = arith.constant dense<0.000000e+00> : vector<1000x128xf32>
    %dot_general3A_12 = tpu.matmul %concatenate3A, %get3A_11, %dot_general3A {dimension_numbers = #tpu.dot_dimension_numbers<[1], [0], [0], [1], [0, 0, 1, 1], [], []>, transpose_lhs_hint = false} : vector<1000x256xf32>, vector<256x128xf32>, vector<1000x128xf32> -> vector<1000x128xf32>
    %get3A_13 = arith.constant 0 : index
    %get3A_14 = arith.constant 0 : index
    %get3A_15 = vector.load %arg3[%get3A_13, %get3A_14] : memref<1000x8xf32, #tpu.memory_space<vmem>>, vector<1000x8xf32>
    %get3A_16 = arith.constant 0 : index
    %get3A_17 = arith.constant 0 : index
    %get3A_18 = vector.load %arg5[%get3A_16, %get3A_17] : memref<8x128xf32, #tpu.memory_space<vmem>>, vector<8x128xf32>
    %dot_general3A_19 = arith.constant dense<0.000000e+00> : vector<1000x128xf32>
    %dot_general3A_20 = tpu.matmul %get3A_15, %get3A_18, %dot_general3A_19 {dimension_numbers = #tpu.dot_dimension_numbers<[1], [0], [0], [1], [0, 0, 1, 1], [], []>, transpose_lhs_hint = false} : vector<1000x8xf32>, vector<8x128xf32>, vector<1000x128xf32> -> vector<1000x128xf32>
    %add3A = arith.addf %dot_general3A_12, %dot_general3A_20 : vector<1000x128xf32>
    %get3A_21 = arith.constant 0 : index
    %get3A_22 = arith.constant 0 : index
    %get3A_23 = vector.load %arg2[%get3A_21, %get3A_22] : memref<1000x128xf32, #tpu.memory_space<vmem>>, vector<1000x128xf32>
    %get3A_24 = arith.constant 0 : index
    %get3A_25 = arith.constant 0 : index
    %get3A_26 = vector.load %arg6[%get3A_24, %get3A_25] : memref<128x384xf32, #tpu.memory_space<vmem>>, vector<128x384xf32>
    %dot_general3A_27 = arith.constant dense<0.000000e+00> : vector<1000x384xf32>
    %dot_general3A_28 = tpu.matmul %add3A, %get3A_26, %dot_general3A_27 {dimension_numbers = #tpu.dot_dimension_numbers<[1], [0], [0], [1], [0, 0, 1, 1], [], []>, transpose_lhs_hint = false} : vector<1000x128xf32>, vector<128x384xf32>, vector<1000x384xf32> -> vector<1000x384xf32>
    %get3A_29 = arith.constant 0 : index
    %get3A_30 = arith.constant 0 : index
    %get3A_31 = vector.load %arg8[%get3A_29, %get3A_30] : memref<1x384xf32, #tpu.memory_space<vmem>>, vector<1x384xf32>
    %add3A_32 = vector.broadcast %get3A_31 : vector<1x384xf32> to vector<1000x384xf32>
    %add3A_33 = arith.addf %dot_general3A_28, %add3A_32 : vector<1000x384xf32>
    %get3A_34 = arith.constant 0 : index
    %get3A_35 = arith.constant 0 : index
    %get3A_36 = vector.load %arg7[%get3A_34, %get3A_35] : memref<128x384xf32, #tpu.memory_space<vmem>>, vector<128x384xf32>
    %dot_general3A_37 = arith.constant dense<0.000000e+00> : vector<1000x384xf32>
    %dot_general3A_38 = tpu.matmul %get3A_23, %get3A_36, %dot_general3A_37 {dimension_numbers = #tpu.dot_dimension_numbers<[1], [0], [0], [1], [0, 0, 1, 1], [], []>, transpose_lhs_hint = false} : vector<1000x128xf32>, vector<128x384xf32>, vector<1000x384xf32> -> vector<1000x384xf32>
    %get3A_39 = arith.constant 0 : index
    %get3A_40 = arith.constant 0 : index
    %get3A_41 = vector.load %arg9[%get3A_39, %get3A_40] : memref<1x384xf32, #tpu.memory_space<vmem>>, vector<1x384xf32>
    %add3A_42 = vector.broadcast %get3A_41 : vector<1x384xf32> to vector<1000x384xf32>
    %add3A_43 = arith.addf %dot_general3A_38, %add3A_42 : vector<1000x384xf32>
    %slice3A = vector.extract_strided_slice %add3A_33 {offsets = [0, 0], sizes = [1000, 128], strides = [1, 1]} : vector<1000x384xf32> to vector<1000x128xf32>
    %slice3A_44 = vector.extract_strided_slice %add3A_43 {offsets = [0, 0], sizes = [1000, 128], strides = [1, 1]} : vector<1000x384xf32> to vector<1000x128xf32>
    %add3A_45 = arith.addf %slice3A, %slice3A_44 : vector<1000x128xf32>
    %logistic3A = arith.negf %add3A_45 : vector<1000x128xf32>
    %logistic3A_46 = math.exp %logistic3A : vector<1000x128xf32>
    %logistic3A_47 = arith.constant 1.000000e+00 : f32
    %logistic3A_48 = vector.broadcast %logistic3A_47 : f32 to vector<1000x128xf32>
    %logistic3A_49 = arith.addf %logistic3A_48, %logistic3A_46 : vector<1000x128xf32>
    %logistic3A_50 = arith.divf %logistic3A_48, %logistic3A_49 : vector<1000x128xf32>
    %slice3A_51 = vector.extract_strided_slice %add3A_33 {offsets = [0, 128], sizes = [1000, 128], strides = [1, 1]} : vector<1000x384xf32> to vector<1000x128xf32>
    %slice3A_52 = vector.extract_strided_slice %add3A_43 {offsets = [0, 128], sizes = [1000, 128], strides = [1, 1]} : vector<1000x384xf32> to vector<1000x128xf32>
    %add3A_53 = arith.addf %slice3A_51, %slice3A_52 : vector<1000x128xf32>
    %logistic3A_54 = arith.negf %add3A_53 : vector<1000x128xf32>
    %logistic3A_55 = math.exp %logistic3A_54 : vector<1000x128xf32>
    %logistic3A_56 = arith.constant 1.000000e+00 : f32
    %logistic3A_57 = vector.broadcast %logistic3A_56 : f32 to vector<1000x128xf32>
    %logistic3A_58 = arith.addf %logistic3A_57, %logistic3A_55 : vector<1000x128xf32>
    %logistic3A_59 = arith.divf %logistic3A_57, %logistic3A_58 : vector<1000x128xf32>
    %slice3A_60 = vector.extract_strided_slice %add3A_33 {offsets = [0, 256], sizes = [1000, 128], strides = [1, 1]} : vector<1000x384xf32> to vector<1000x128xf32>
    %slice3A_61 = vector.extract_strided_slice %add3A_43 {offsets = [0, 256], sizes = [1000, 128], strides = [1, 1]} : vector<1000x384xf32> to vector<1000x128xf32>
    %mul3A = arith.mulf %logistic3A_50, %slice3A_61 : vector<1000x128xf32>
    %add3A_62 = arith.addf %slice3A_60, %mul3A : vector<1000x128xf32>
    %tanh3A = math.tanh %add3A_62 : vector<1000x128xf32>
    %sub3A = arith.constant 1.000000e+00 : f32
    %sub3A_63 = vector.broadcast %sub3A : f32 to vector<1000x128xf32>
    %sub3A_64 = arith.subf %sub3A_63, %logistic3A_59 : vector<1000x128xf32>
    %mul3A_65 = arith.mulf %sub3A_64, %tanh3A : vector<1000x128xf32>
    %mul3A_66 = arith.mulf %logistic3A_59, %get3A_23 : vector<1000x128xf32>
    %add3A_67 = arith.addf %mul3A_65, %mul3A_66 : vector<1000x128xf32>
    %swap3A = arith.constant 0 : index
    %swap3A_68 = arith.constant 0 : index
    %swap3A_69 = vector.load %arg12[%swap3A, %swap3A_68] : memref<1000x128xf32, #tpu.memory_space<vmem>>, vector<1000x128xf32>
    tpu.vector_store %arg12[%swap3A, %swap3A_68], %add3A_67 {strides = array<i32>} : memref<1000x128xf32, #tpu.memory_space<vmem>>, vector<1000x128xf32>,
    return
  }
  func.func @transform_0(%arg0: i32) -> (i32, i32, i32) {
    %c0_i32 = arith.constant 0 : i32
    %c0_i32_0 = arith.constant 0 : i32
    %c0_i32_1 = arith.constant 0 : i32
    return %c0_i32, %arg0, %c0_i32_0 : i32, i32, i32
  }
  func.func @transform_1(%arg0: i32) -> (i32, i32) {
    %c0_i32 = arith.constant 0 : i32
    %c0_i32_0 = arith.constant 0 : i32
    return %arg0, %c0_i32 : i32, i32
  }
  func.func @transform_2(%arg0: i32) -> (i32, i32) {
    %c0_i32 = arith.constant 0 : i32
    %c0_i32_0 = arith.constant 0 : i32
    return %arg0, %c0_i32 : i32, i32
  }
  func.func @transform_3(%arg0: i32) -> (i32, i32) {
    %c0_i32 = arith.constant 0 : i32
    %c0_i32_0 = arith.constant 0 : i32
    %c0_i32_1 = arith.constant 0 : i32
    return %c0_i32, %c0_i32_0 : i32, i32
  }
  func.func @transform_4(%arg0: i32) -> (i32, i32) {
    %c0_i32 = arith.constant 0 : i32
    %c0_i32_0 = arith.constant 0 : i32
    %c0_i32_1 = arith.constant 0 : i32
    return %c0_i32, %c0_i32_0 : i32, i32
  }
  func.func @transform_5(%arg0: i32) -> (i32, i32) {
    %c0_i32 = arith.constant 0 : i32
    %c0_i32_0 = arith.constant 0 : i32
    %c0_i32_1 = arith.constant 0 : i32
    return %c0_i32, %c0_i32_0 : i32, i32
  }
  func.func @transform_6(%arg0: i32) -> (i32, i32) {
    %c0_i32 = arith.constant 0 : i32
    %c0_i32_0 = arith.constant 0 : i32
    %c0_i32_1 = arith.constant 0 : i32
    return %c0_i32, %c0_i32_0 : i32, i32
  }
  func.func @transform_7(%arg0: i32) -> (i32, i32) {
    %c0_i32 = arith.constant 0 : i32
    %c0_i32_0 = arith.constant 0 : i32
    %c0_i32_1 = arith.constant 0 : i32
    return %c0_i32, %c0_i32_0 : i32, i32
  }
  func.func @transform_8(%arg0: i32) -> (i32, i32) {
    %c0_i32 = arith.constant 0 : i32
    %c0_i32_0 = arith.constant 0 : i32
    %c0_i32_1 = arith.constant 0 : i32
    return %c0_i32, %c0_i32_0 : i32, i32
  }
  func.func @transform_9(%arg0: i32) -> (i32, i32) {
    %c0_i32 = arith.constant 0 : i32
    %c0_i32_0 = arith.constant 0 : i32
    %c0_i32_1 = arith.constant 0 : i32
    return %c0_i32, %c0_i32_0 : i32, i32
  }
  func.func @transform_10(%arg0: i32) -> (i32, i32) {
    %c0_i32 = arith.constant 0 : i32
    %c0_i32_0 = arith.constant 0 : i32
    %c0_i32_1 = arith.constant 0 : i32
    return %c0_i32, %c0_i32_0 : i32, i32
  }
  func.func @transform_11(%arg0: i32) -> (i32, i32) {
    %c0_i32 = arith.constant 0 : i32
    %c0_i32_0 = arith.constant 0 : i32
    return %arg0, %c0_i32 : i32, i32
  }
}

module attributes {stable_mosaic.version = 14 : i64} {
  func.func @_tc_body(%arg0: i32, %arg1: memref<2x1000x128xf32, #tpu.memory_space<vmem>>, %arg2: memref<1000x128xf32, #tpu.memory_space<vmem>>, %arg3: memref<1000x8xf32, #tpu.memory_space<vmem>>, %arg4: memref<256x128xf32, #tpu.memory_space<vmem>>, %arg5: memref<8x128xf32, #tpu.memory_space<vmem>>, %arg6: memref<128x384xf32, #tpu.memory_space<vmem>>, %arg7: memref<128x384xf32, #tpu.memory_space<vmem>>, %arg8: memref<1x384xf32, #tpu.memory_space<vmem>>, %arg9: memref<1x384xf32, #tpu.memory_space<vmem>>, %arg10: memref<128x128xf32, #tpu.memory_space<vmem>>, %arg11: memref<1x128xf32, #tpu.memory_space<vmem>>, %arg12: memref<1000x128xf32, #tpu.memory_space<vmem>>, %arg13: memref<1x128xf32, #tpu.memory_space<vmem>>) attributes {dimension_semantics = [#tpu.dimension_semantics<arbitrary>], iteration_bounds = array<i64: 10>, scalar_prefetch = 0 : i64, scratch_operands = 0 : i64, tpu.core_type = #tpu.core_type<tc>, window_params = [{transform_indices = @transform_0, window_bounds = array<i64: 2, 1000, 128>}, {transform_indices = @transform_1, window_bounds = array<i64: 1000, 128>}, {transform_indices = @transform_2, window_bounds = array<i64: 1000, 8>}, {pipeline_mode = #tpu.pipeline_mode<synchronous>, transform_indices = @transform_3, window_bounds = array<i64: 256, 128>}, {pipeline_mode = #tpu.pipeline_mode<synchronous>, transform_indices = @transform_4, window_bounds = array<i64: 8, 128>}, {pipeline_mode = #tpu.pipeline_mode<synchronous>, transform_indices = @transform_5, window_bounds = array<i64: 128, 384>}, {pipeline_mode = #tpu.pipeline_mode<synchronous>, transform_indices = @transform_6, window_bounds = array<i64: 128, 384>}, {pipeline_mode = #tpu.pipeline_mode<synchronous>, transform_indices = @transform_7, window_bounds = array<i64: 1, 384>}, {pipeline_mode = #tpu.pipeline_mode<synchronous>, transform_indices = @transform_8, window_bounds = array<i64: 1, 384>}, {pipeline_mode = #tpu.pipeline_mode<synchronous>, transform_indices = @transform_9, window_bounds = array<i64: 128, 128>}, {pipeline_mode = #tpu.pipeline_mode<synchronous>, transform_indices = @transform_10, window_bounds = array<i64: 1, 128>}, {transform_indices = @transform_11, window_bounds = array<i64: 1000, 128>}, {pipeline_mode = #tpu.pipeline_mode<synchronous>, transform_indices = @transform_12, window_bounds = array<i64: 1, 128>}]} {
    %get3A = arith.constant 0 : index
    %get3A_0 = arith.constant 0 : index
    %get3A_1 = arith.constant 0 : index
    %get3A_2 = vector.load %arg1[%get3A, %get3A_0, %get3A_1] : memref<2x1000x128xf32, #tpu.memory_space<vmem>>, vector<1x1000x128xf32>
    %get3A_3 = vector.shape_cast %get3A_2 : vector<1x1000x128xf32> to vector<1000x128xf32>
    %get3A_4 = arith.constant 1 : index
    %get3A_5 = arith.constant 0 : index
    %get3A_6 = arith.constant 0 : index
    %get3A_7 = vector.load %arg1[%get3A_4, %get3A_5, %get3A_6] : memref<2x1000x128xf32, #tpu.memory_space<vmem>>, vector<1x1000x128xf32>
    %get3A_8 = vector.shape_cast %get3A_7 : vector<1x1000x128xf32> to vector<1000x128xf32>
    %concatenate3A = tpu.concatenate %get3A_3, %get3A_8 in 1 : vector<1000x128xf32>, vector<1000x128xf32> -> vector<1000x256xf32>
    %get3A_9 = arith.constant 0 : index
    %get3A_10 = arith.constant 0 : index
    %get3A_11 = vector.load %arg4[%get3A_9, %get3A_10] : memref<256x128xf32, #tpu.memory_space<vmem>>, vector<256x128xf32>
    %dot_general3A = arith.constant dense<0.000000e+00> : vector<1000x128xf32>
    %dot_general3A_12 = tpu.matmul %concatenate3A, %get3A_11, %dot_general3A {dimension_numbers = #tpu.dot_dimension_numbers<[1], [0], [0], [1], [0, 0, 1, 1], [], []>, transpose_lhs_hint = false} : vector<1000x256xf32>, vector<256x128xf32>, vector<1000x128xf32> -> vector<1000x128xf32>
    %get3A_13 = arith.constant 0 : index
    %get3A_14 = arith.constant 0 : index
    %get3A_15 = vector.load %arg3[%get3A_13, %get3A_14] : memref<1000x8xf32, #tpu.memory_space<vmem>>, vector<1000x8xf32>
    %get3A_16 = arith.constant 0 : index
    %get3A_17 = arith.constant 0 : index
    %get3A_18 = vector.load %arg5[%get3A_16, %get3A_17] : memref<8x128xf32, #tpu.memory_space<vmem>>, vector<8x128xf32>
    %dot_general3A_19 = arith.constant dense<0.000000e+00> : vector<1000x128xf32>
    %dot_general3A_20 = tpu.matmul %get3A_15, %get3A_18, %dot_general3A_19 {dimension_numbers = #tpu.dot_dimension_numbers<[1], [0], [0], [1], [0, 0, 1, 1], [], []>, transpose_lhs_hint = false} : vector<1000x8xf32>, vector<8x128xf32>, vector<1000x128xf32> -> vector<1000x128xf32>
    %add3A = arith.addf %dot_general3A_12, %dot_general3A_20 : vector<1000x128xf32>
    %get3A_21 = arith.constant 0 : index
    %get3A_22 = arith.constant 0 : index
    %get3A_23 = vector.load %arg2[%get3A_21, %get3A_22] : memref<1000x128xf32, #tpu.memory_space<vmem>>, vector<1000x128xf32>
    %get3A_24 = arith.constant 0 : index
    %get3A_25 = arith.constant 0 : index
    %get3A_26 = vector.load %arg6[%get3A_24, %get3A_25] : memref<128x384xf32, #tpu.memory_space<vmem>>, vector<128x384xf32>
    %dot_general3A_27 = arith.constant dense<0.000000e+00> : vector<1000x384xf32>
    %dot_general3A_28 = tpu.matmul %add3A, %get3A_26, %dot_general3A_27 {dimension_numbers = #tpu.dot_dimension_numbers<[1], [0], [0], [1], [0, 0, 1, 1], [], []>, transpose_lhs_hint = false} : vector<1000x128xf32>, vector<128x384xf32>, vector<1000x384xf32> -> vector<1000x384xf32>
    %get3A_29 = arith.constant 0 : index
    %get3A_30 = arith.constant 0 : index
    %get3A_31 = vector.load %arg8[%get3A_29, %get3A_30] : memref<1x384xf32, #tpu.memory_space<vmem>>, vector<1x384xf32>
    %add3A_32 = vector.broadcast %get3A_31 : vector<1x384xf32> to vector<1000x384xf32>
    %add3A_33 = arith.addf %dot_general3A_28, %add3A_32 : vector<1000x384xf32>
    %get3A_34 = arith.constant 0 : index
    %get3A_35 = arith.constant 0 : index
    %get3A_36 = vector.load %arg7[%get3A_34, %get3A_35] : memref<128x384xf32, #tpu.memory_space<vmem>>, vector<128x384xf32>
    %dot_general3A_37 = arith.constant dense<0.000000e+00> : vector<1000x384xf32>
    %dot_general3A_38 = tpu.matmul %get3A_23, %get3A_36, %dot_general3A_37 {dimension_numbers = #tpu.dot_dimension_numbers<[1], [0], [0], [1], [0, 0, 1, 1], [], []>, transpose_lhs_hint = false} : vector<1000x128xf32>, vector<128x384xf32>, vector<1000x384xf32> -> vector<1000x384xf32>
    %get3A_39 = arith.constant 0 : index
    %get3A_40 = arith.constant 0 : index
    %get3A_41 = vector.load %arg9[%get3A_39, %get3A_40] : memref<1x384xf32, #tpu.memory_space<vmem>>, vector<1x384xf32>
    %add3A_42 = vector.broadcast %get3A_41 : vector<1x384xf32> to vector<1000x384xf32>
    %add3A_43 = arith.addf %dot_general3A_38, %add3A_42 : vector<1000x384xf32>
    %slice3A = vector.extract_strided_slice %add3A_33 {offsets = [0, 0], sizes = [1000, 128], strides = [1, 1]} : vector<1000x384xf32> to vector<1000x128xf32>
    %slice3A_44 = vector.extract_strided_slice %add3A_43 {offsets = [0, 0], sizes = [1000, 128], strides = [1, 1]} : vector<1000x384xf32> to vector<1000x128xf32>
    %add3A_45 = arith.addf %slice3A, %slice3A_44 : vector<1000x128xf32>
    %logistic3A = arith.negf %add3A_45 : vector<1000x128xf32>
    %logistic3A_46 = math.exp %logistic3A : vector<1000x128xf32>
    %logistic3A_47 = arith.constant 1.000000e+00 : f32
    %logistic3A_48 = vector.broadcast %logistic3A_47 : f32 to vector<1000x128xf32>
    %logistic3A_49 = arith.addf %logistic3A_48, %logistic3A_46 : vector<1000x128xf32>
    %logistic3A_50 = arith.divf %logistic3A_48, %logistic3A_49 : vector<1000x128xf32>
    %slice3A_51 = vector.extract_strided_slice %add3A_33 {offsets = [0, 128], sizes = [1000, 128], strides = [1, 1]} : vector<1000x384xf32> to vector<1000x128xf32>
    %slice3A_52 = vector.extract_strided_slice %add3A_43 {offsets = [0, 128], sizes = [1000, 128], strides = [1, 1]} : vector<1000x384xf32> to vector<1000x128xf32>
    %add3A_53 = arith.addf %slice3A_51, %slice3A_52 : vector<1000x128xf32>
    %logistic3A_54 = arith.negf %add3A_53 : vector<1000x128xf32>
    %logistic3A_55 = math.exp %logistic3A_54 : vector<1000x128xf32>
    %logistic3A_56 = arith.constant 1.000000e+00 : f32
    %logistic3A_57 = vector.broadcast %logistic3A_56 : f32 to vector<1000x128xf32>
    %logistic3A_58 = arith.addf %logistic3A_57, %logistic3A_55 : vector<1000x128xf32>
    %logistic3A_59 = arith.divf %logistic3A_57, %logistic3A_58 : vector<1000x128xf32>
    %slice3A_60 = vector.extract_strided_slice %add3A_33 {offsets = [0, 256], sizes = [1000, 128], strides = [1, 1]} : vector<1000x384xf32> to vector<1000x128xf32>
    %slice3A_61 = vector.extract_strided_slice %add3A_43 {offsets = [0, 256], sizes = [1000, 128], strides = [1, 1]} : vector<1000x384xf32> to vector<1000x128xf32>
    %mul3A = arith.mulf %logistic3A_50, %slice3A_61 : vector<1000x128xf32>
    %add3A_62 = arith.addf %slice3A_60, %mul3A : vector<1000x128xf32>
    %tanh3A = math.tanh %add3A_62 : vector<1000x128xf32>
    %sub3A = arith.constant 1.000000e+00 : f32
    %sub3A_63 = vector.broadcast %sub3A : f32 to vector<1000x128xf32>
    %sub3A_64 = arith.subf %sub3A_63, %logistic3A_59 : vector<1000x128xf32>
    %mul3A_65 = arith.mulf %sub3A_64, %tanh3A : vector<1000x128xf32>
    %mul3A_66 = arith.mulf %logistic3A_59, %get3A_23 : vector<1000x128xf32>
    %add3A_67 = arith.addf %mul3A_65, %mul3A_66 : vector<1000x128xf32>
    %swap3A = arith.constant 0 : index
    %swap3A_68 = arith.constant 0 : index
    %swap3A_69 = vector.load %arg12[%swap3A, %swap3A_68] : memref<1000x128xf32, #tpu.memory_space<vmem>>, vector<1000x128xf32>
    tpu.vector_store %arg12[%swap3A, %swap3A_68], %add3A_67 {strides = array<i32>} : memref<1000x128xf32, #tpu.memory_space<vmem>>, vector<1000x128xf32>,
    %get3A_70 = arith.constant 0 : index
    %get3A_71 = arith.constant 0 : index
    %get3A_72 = vector.load %arg10[%get3A_70, %get3A_71] : memref<128x128xf32, #tpu.memory_space<vmem>>, vector<128x128xf32>
    %dot_general3A_73 = arith.constant dense<0.000000e+00> : vector<1000x128xf32>
    %dot_general3A_74 = tpu.matmul %add3A_67, %get3A_72, %dot_general3A_73 {dimension_numbers = #tpu.dot_dimension_numbers<[1], [0], [0], [1], [0, 0, 1, 1], [], []>, transpose_lhs_hint = false} : vector<1000x128xf32>, vector<128x128xf32>, vector<1000x128xf32> -> vector<1000x128xf32>
    %get3A_75 = arith.constant 0 : index
    %get3A_76 = arith.constant 0 : index
    %get3A_77 = vector.load %arg11[%get3A_75, %get3A_76] : memref<1x128xf32, #tpu.memory_space<vmem>>, vector<1x128xf32>
    %add3A_78 = vector.broadcast %get3A_77 : vector<1x128xf32> to vector<1000x128xf32>
    %add3A_79 = arith.addf %dot_general3A_74, %add3A_78 : vector<1000x128xf32>
    %reduce_max3A = arith.constant dense<0xFF800000> : vector<128xf32>
    %reduce_max3A_80 = vector.multi_reduction <maximumf>, %add3A_79, %reduce_max3A [0] : vector<1000x128xf32> to vector<128xf32>
    %broadcast_in_dim3A = vector.shape_cast %reduce_max3A_80 : vector<128xf32> to vector<1x128xf32>
    %eq3A = arith.constant 0 : i32
    %eq3A_81 = arith.cmpi eq, %arg0, %eq3A : i32
    %convert_element_type3A = arith.extui %eq3A_81 : i1 to i32
    %cond3A = arith.constant 0 : i32
    %cond3A_82 = arith.cmpi ne, %convert_element_type3A, %cond3A : i32
    scf.if %cond3A_82 {
      %swap3A_87 = arith.constant 0 : index
      %swap3A_88 = arith.constant 0 : index
      %swap3A_89 = vector.load %arg13[%swap3A_87, %swap3A_88] : memref<1x128xf32, #tpu.memory_space<vmem>>, vector<1x128xf32>
      tpu.vector_store %arg13[%swap3A_87, %swap3A_88], %broadcast_in_dim3A {strides = array<i32>} : memref<1x128xf32, #tpu.memory_space<vmem>>, vector<1x128xf32>,
    } else {
    }
    %gt3A = arith.constant 0 : i32
    %gt3A_83 = arith.cmpi sgt, %arg0, %gt3A : i32
    %convert_element_type3A_84 = arith.extui %gt3A_83 : i1 to i32
    %cond3A_85 = arith.constant 0 : i32
    %cond3A_86 = arith.cmpi ne, %convert_element_type3A_84, %cond3A_85 : i32
    scf.if %cond3A_86 {
      %get3A_87 = arith.constant 0 : index
      %get3A_88 = arith.constant 0 : index
      %get3A_89 = vector.load %arg13[%get3A_87, %get3A_88] : memref<1x128xf32, #tpu.memory_space<vmem>>, vector<1x128xf32>
      %max3A = arith.maximumf %get3A_89, %broadcast_in_dim3A : vector<1x128xf32>
      %swap3A_90 = arith.constant 0 : index
      %swap3A_91 = arith.constant 0 : index
      %swap3A_92 = vector.load %arg13[%swap3A_90, %swap3A_91] : memref<1x128xf32, #tpu.memory_space<vmem>>, vector<1x128xf32>
      tpu.vector_store %arg13[%swap3A_90, %swap3A_91], %max3A {strides = array<i32>} : memref<1x128xf32, #tpu.memory_space<vmem>>, vector<1x128xf32>,
    } else {
    }
    return
  }
  func.func @transform_0(%arg0: i32) -> (i32, i32, i32) {
    %c0_i32 = arith.constant 0 : i32
    %c0_i32_0 = arith.constant 0 : i32
    %c0_i32_1 = arith.constant 0 : i32
    return %c0_i32, %arg0, %c0_i32_0 : i32, i32, i32
  }
  func.func @transform_1(%arg0: i32) -> (i32, i32) {
    %c0_i32 = arith.constant 0 : i32
    %c0_i32_0 = arith.constant 0 : i32
    return %arg0, %c0_i32 : i32, i32
  }
  func.func @transform_2(%arg0: i32) -> (i32, i32) {
    %c0_i32 = arith.constant 0 : i32
    %c0_i32_0 = arith.constant 0 : i32
    return %arg0, %c0_i32 : i32, i32
  }
  func.func @transform_3(%arg0: i32) -> (i32, i32) {
    %c0_i32 = arith.constant 0 : i32
    %c0_i32_0 = arith.constant 0 : i32
    %c0_i32_1 = arith.constant 0 : i32
    return %c0_i32, %c0_i32_0 : i32, i32
  }
  func.func @transform_4(%arg0: i32) -> (i32, i32) {
    %c0_i32 = arith.constant 0 : i32
    %c0_i32_0 = arith.constant 0 : i32
    %c0_i32_1 = arith.constant 0 : i32
    return %c0_i32, %c0_i32_0 : i32, i32
  }
  func.func @transform_5(%arg0: i32) -> (i32, i32) {
    %c0_i32 = arith.constant 0 : i32
    %c0_i32_0 = arith.constant 0 : i32
    %c0_i32_1 = arith.constant 0 : i32
    return %c0_i32, %c0_i32_0 : i32, i32
  }
  func.func @transform_6(%arg0: i32) -> (i32, i32) {
    %c0_i32 = arith.constant 0 : i32
    %c0_i32_0 = arith.constant 0 : i32
    %c0_i32_1 = arith.constant 0 : i32
    return %c0_i32, %c0_i32_0 : i32, i32
  }
  func.func @transform_7(%arg0: i32) -> (i32, i32) {
    %c0_i32 = arith.constant 0 : i32
    %c0_i32_0 = arith.constant 0 : i32
    %c0_i32_1 = arith.constant 0 : i32
    return %c0_i32, %c0_i32_0 : i32, i32
  }
  func.func @transform_8(%arg0: i32) -> (i32, i32) {
    %c0_i32 = arith.constant 0 : i32
    %c0_i32_0 = arith.constant 0 : i32
    %c0_i32_1 = arith.constant 0 : i32
    return %c0_i32, %c0_i32_0 : i32, i32
  }
  func.func @transform_9(%arg0: i32) -> (i32, i32) {
    %c0_i32 = arith.constant 0 : i32
    %c0_i32_0 = arith.constant 0 : i32
    %c0_i32_1 = arith.constant 0 : i32
    return %c0_i32, %c0_i32_0 : i32, i32
  }
  func.func @transform_10(%arg0: i32) -> (i32, i32) {
    %c0_i32 = arith.constant 0 : i32
    %c0_i32_0 = arith.constant 0 : i32
    %c0_i32_1 = arith.constant 0 : i32
    return %c0_i32, %c0_i32_0 : i32, i32
  }
  func.func @transform_11(%arg0: i32) -> (i32, i32) {
    %c0_i32 = arith.constant 0 : i32
    %c0_i32_0 = arith.constant 0 : i32
    return %arg0, %c0_i32 : i32, i32
  }
  func.func @transform_12(%arg0: i32) -> (i32, i32) {
    %c0_i32 = arith.constant 0 : i32
    %c0_i32_0 = arith.constant 0 : i32
    %c0_i32_1 = arith.constant 0 : i32
    return %c0_i32, %c0_i32_0 : i32, i32
  }
}

</mosaic_0001>

<sc_bundles>
// kernel: kernel.6.cloned.1.call-start
scs
__scs_entry_jumppad:
0x0: {  	(pc) =	sbr.rel $0x88, $3  }
0x1: {  	(tag) =	ssettag $0x0;
	lr =	simm.s32 $0x1  }
0x2: {  	[smem:$0x3F94] =	sst lr;
	_ =	strace $0xD0000000  }
0x3: {  	_ = 	snop  }
0x4: {  	_ = 	snop  }
0x5: {  	_ = 	snop  }
0x6: {  	_ = 	snop  }
0x7: {  	_ = 	snop  }
__scs_overlays_trampoline_lowered:
0x8: {  	[smem:$0x3FA3] =	sst s0  }
0x9: {  	[smem:$0x3FA4] =	sst s1  }
0xa: {  	[smem:$0x3FA5] =	sst s2  }
0xb: {  	[smem:$0x3FA6] =	sst s3  }
0xc: {  	[smem:$0x3FA7] =	sst s4  }
0xd: {  	[smem:$0x3FA8] =	sst s5  }
0xe: {  	[smem:$0x3FA9] =	sst s6  }
0xf: {  	[smem:$0x3FAA] =	sst s7  }
0x10: {  	[smem:$0x3FAB] =	sst s8  }
0x11: {  	[smem:$0x3FAC] =	sst s9;
	s0 =	simm.s32 @!p0 $0x0  }
0x12: {  	s1 =	sld [smem:$0x3F92];
	s0 =	simm.s32 @p0 $0x1  }
0x13: {  	[smem:$0x3FAD] =	sst s0;
	s0 =	simm.s32 @!p1 $0x0  }
0x14: {  	s2 =	sld [smem:$0x3F91];
	s0 =	simm.s32 @p1 $0x1  }
0x15: {  	[smem:$0x3FAE] =	sst s0;
	s0 =	simm.s32 @!p2 $0x0  }
0x16: {  	s3 =	sld [smem:$0x3FDB];
	s0 =	simm.s32 @p2 $0x1  }
0x17: {  	s4 =	simm.s32 $0x1BF5;
	[smem:$0x3FB0] =	sst s0  }
0x18: {  	s0 =	sld [smem:$0x3F93];
	_ =	swait.ge [sflag:s4], $0x0  }
0x19: {  	s7 =	sld [smem:$0x3F94]  }
0x1a: {  	s8 =	sadd.s32 $0xFFFFE003, lr  }
0x1b: {  	s9 =	sadd.s32 $0xFFFFFEF7, lr;
	s5 =	simm.s32 $0xFFFFFFFF;
	p2 =	slt.u32 s8, $0xFFFFF086  }
0x1c: {  	p1 =	slt.u32 s9, $0xF7A;
	s5 =	simm.s32 @!p2 $0x0  }
0x1d: {  	s5 =	simm.s32 @p1 $0x1;
	p0 =	seq.s32 s7, s2  }
0x1e: {  	s7 =	smul.u32 @!p0 $0xF7A, s2;
	p2 =	seq.s32 @!p0 s5, $0x0  }
0x1f: {  	s9 =	smul.u32 $0xF7A, s1;
	s8 =	simm.s32 @!p0 $0x1BF5;
	p2 =	por !p2, p0  }
0x20: {  	[sflag:s8] =	ssyncset.s32 @!p0 $0xFFFFF086;
	s6 =	sadd.s32 @!p0 s3, s7;
	s7 =	simm.s32 @!p0 $0x108  }
0x21: {  	s3 =	sadd.s32 s3, s9;
	s6 =	sadd.s32 @!p0 $0x88, s6;
	s7 =	simm.s32 @p2 $0x1082  }
0x22: {  	[simem:s7], [sflag:s8] =	dma.local @!p0 [hbm:s6], $0xF7A  }
0x23: {  	s9 =	sor.u32 $0xD0000000, s2;
	s6 =	simm.s32 $0x108;
	_ =	swait.ge @!p0 [sflag:s8], $0x0  }
0x24: {  	s3 =	sadd.s32 $0x88, s3;
	s6 =	simm.s32 @!p1 $0x1082;
	[sflag:s4] =	ssyncset.s32 $0xFFFFF086  }
0x25: {  	[simem:s6], [sflag:s4] =	dma.local [hbm:s3], $0xF7A  }
0x26: {  	[smem:$0x3F94] =	sst s1;
	(tag) =	ssettag s2;
	_ =	strace s9  }
0x27: {  	s1 =	sld [smem:$0x3FA4]  }
0x28: {  	s2 =	sld [smem:$0x3FA5]  }
0x29: {  	s4 =	sld [smem:$0x3FA7]  }
0x2a: {  	p0 =	seq.s32 s5, $0x0;
	s5 =	sld [smem:$0x3FA8]  }
0x2b: {  	s6 =	sld [smem:$0x3FA9]  }
0x2c: {  	s7 =	sld [smem:$0x3FAA]  }
0x2d: {  	s3 =	simm.s32 $0x108;
	s8 =	sld [smem:$0x3FAB]  }
0x2e: {  	s3 =	simm.s32 @!p0 $0x1082;
	s9 =	sld [smem:$0x3FAC]  }
0x2f: {  	lr =	sadd.s32 s0, s3;
	s0 =	sld [smem:$0x3FA3]  }
0x30: {  	s3 =	sld [smem:$0x3FA6]  }
0x31: {  	[smem:$0x3FAF] =	sst s10  }
0x32: {  	s10 =	sld [smem:$0x3FAD];
	_ =	sdelay $0x3  }
0x33: {  	p0 =	seq.s32 s10, $0x1;
	s10 =	sld [smem:$0x3FAF];
	_ =	sdelay $0x3  }
0x34: {  	[smem:$0x3FAF] =	sst s10  }
0x35: {  	s10 =	sld [smem:$0x3FAE];
	_ =	sdelay $0x3  }
0x36: {  	p1 =	seq.s32 s10, $0x1;
	s10 =	sld [smem:$0x3FAF];
	_ =	sdelay $0x3  }
0x37: {  	[smem:$0x3FAF] =	sst s10  }
0x38: {  	s10 =	sld [smem:$0x3FB0]  }
0x39: {  	_ = 	snop;
	(pc) =	sbr.ind lr, $3  }
0x3a: {  	_ = 	snop  }
0x3b: {  	_ = 	snop  }
0x3c: {  	p2 =	seq.s32 s10, $0x1;
	s10 =	sld [smem:$0x3FAF]  }
0x3d: {  	_ =	shalt  }
0x3e: {  	_ =	shalt  }
0x3f: {  	_ =	shalt  }
0x40: {  	_ =	shalt  }
0x41: {  	_ =	shalt  }
0x42: {  	_ =	shalt  }
0x43: {  	_ =	shalt  }
0x44: {  	_ =	shalt  }
0x45: {  	_ =	shalt  }
0x46: {  	_ =	shalt  }
0x47: {  	_ =	shalt  }
0x48: {  	_ =	shalt  }
0x49: {  	_ =	shalt  }
0x4a: {  	_ =	shalt  }
0x4b: {  	_ =	shalt  }
0x4c: {  	_ =	shalt  }
0x4d: {  	_ =	shalt  }
0x4e: {  	_ =	shalt  }
0x4f: {  	_ =	shalt  }
0x50: {  	_ =	shalt  }
0x51: {  	_ =	shalt  }
0x52: {  	_ =	shalt  }
0x53: {  	_ =	shalt  }
0x54: {  	_ =	shalt  }
0x55: {  	_ =	shalt  }
0x56: {  	_ =	shalt  }
0x57: {  	_ =	shalt  }
0x58: {  	_ =	shalt  }
0x59: {  	_ =	shalt  }
0x5a: {  	_ =	shalt  }
0x5b: {  	_ =	shalt  }
0x5c: {  	_ =	shalt  }
0x5d: {  	_ =	shalt  }
0x5e: {  	_ =	shalt  }
0x5f: {  	_ =	shalt  }
0x60: {  	_ =	shalt  }
0x61: {  	_ =	shalt  }
0x62: {  	_ =	shalt  }
0x63: {  	_ =	shalt  }
0x64: {  	_ =	shalt  }
0x65: {  	_ =	shalt  }
0x66: {  	_ =	shalt  }
0x67: {  	_ =	shalt  }
0x68: {  	_ =	shalt  }
0x69: {  	_ =	shalt  }
0x6a: {  	_ =	shalt  }
0x6b: {  	_ =	shalt  }
0x6c: {  	_ =	shalt  }
0x6d: {  	_ =	shalt  }
0x6e: {  	_ =	shalt  }
0x6f: {  	_ =	shalt  }
0x70: {  	_ =	shalt  }
0x71: {  	_ =	shalt  }
0x72: {  	_ =	shalt  }
0x73: {  	_ =	shalt  }
0x74: {  	_ =	shalt  }
0x75: {  	_ =	shalt  }
0x76: {  	_ =	shalt  }
0x77: {  	_ =	shalt  }
0x78: {  	_ =	shalt  }
0x79: {  	_ =	shalt  }
0x7a: {  	_ =	shalt  }
0x7b: {  	_ =	shalt  }
0x7c: {  	_ =	shalt  }
0x7d: {  	_ =	shalt  }
0x7e: {  	_ =	shalt  }
0x7f: {  	_ =	shalt  }
0x80: {  	_ =	shalt  }
0x81: {  	_ =	shalt  }
0x82: {  	_ =	shalt  }
0x83: {  	_ =	shalt  }
0x84: {  	_ =	shalt  }
0x85: {  	_ =	shalt  }
0x86: {  	_ =	shalt  }
0x87: {  	_ =	shalt  }
.Lfunc_end0:
.L_simem_size_0:
called_computation_lowered:
.L_overlay_start_0:
0x88: {  	s2 =	sld [smem:$0x3FD9]  }
0x89: {  	s3 =	sld [smem:$0x3FFE];
	_ =	sdelay $0x1  }
0x8a: {  	s1 =	srdreg.scid  }
0x8b: {  	s0 =	sand.u32 $0x1, s1  }
0x8c: {  	s17 =	sshll.u32 s0, $0xA;
	s2 =	sadd.s32 s3, s2  }
0x8d: {  	s2 =	sadd.s32 s2, s17  }
0x8e: {  	[smem:$0x3FBB] =	sst s2  }
0x8f: {  	_ = 	snop  }
0x90: {  	s2 =	sld [smem:$0x3FC9]  }
0x91: {  	s18 =	sld [smem:$0x3FD0];
	(tm) =	ssettm $0x1  }
0x92: {  	s4 =	sld [smem:$0x3FFB];
	_ =	sdelay $0x3  }
0x93: {  	_ =	strace s4  }
0x94: {  	s4 =	sld [smem:$0x3FFC];
	_ =	sdelay $0x3  }
0x95: {  	_ =	strace s4  }
0x96: {  	s4 =	sld [smem:$0x3FFD];
	_ =	sdelay $0x3  }
0x97: {  	_ =	strace s4  }
0x98: {  	_ =	strace $0x8FFFFFFF  }
0x99: {  	s19 =	sld [smem:$0x3FDB];
	_ =	sdelay $0x1  }
0x9a: {  	s5 =	simm.s32 $_scs_section_size  }
0x9b: {  	s6 =	simm.s32 $_size__tile_overlayer_lowered;
	s7 =	simm.s32 $_tile_overlayer_lowered  }
0x9c: {  	s22 =	simm.s32 $0x1BFF;
	s21 =	sshll.u32 s7, $0x1;
	s4 =	sadd.s32 s5, s19  }
0x9d: {  	s8 =	simm.s32 $0x0;
	s20 =	sshll.u32 s6, $0x1;
	s6 =	sadd.s32 s21, s4  }
0x9e: {  	[timem:s8], [sflag:s22] =	dma.local [hbm:s6], s20  }
0x9f: {  	_ =	swait.ge [sflag:s22], s20  }
0xa0: {  	s5 =	ssub.s32 $0x0, s20;
	[sflag:s22] =	ssyncset.done $0x0  }
0xa1: {  	[sflag:s22] =	ssyncadd.s32 s5;
	_ =	sdelay $0x1  }
0xa2: {  	s23 =	simm.s32 $0x1B8B  }
0xa3: {  	_ =	swait.ge [sflag:s23], $0x1  }
0xa4: {  	[sflag:s23] =	ssyncset.done $0x0  }
0xa5: {  	s25 =	simm.s32 $0x1B8E;
	s24 =	sld [smem:$0x3FFE];
	[sflag:s23] =	ssyncadd.s32 $0xFFFFFFFF  }
0xa6: {  	s26 =	simm.s32 $execute0_lowered;
	[smem:$0x3FD2] =	sst s25  }
0xa7: {  	s6 =	sshll.u32 s26, $0x1;
	_ =	strace $0x80000046;
	[dreg:$0x1] =	wrdreg $0xFFFFFFFF  }
0xa8: {  	s28 =	simm.s32 $_size_execute0_lowered;
	s4 =	sadd.s32 s4, s6;
	[dreg:$0x0] =	wrdreg $0x0  }
0xa9: {  	s6 =	sshll.u32 s28, $0x1;
	[dreg:$0x2] =	wrdreg s4  }
0xaa: {  	[dreg:$0x3] =	wrdreg s6  }
0xab: {  	[dreg:$0x4] =	wrdreg $0xC0  }
0xac: {  	_ =	task [dreg:s8], $0x5FFFF  }
0xad: {  	[dreg:$0x1] =	wrdreg $0xFFFFFFFF  }
0xae: {  	[dreg:$0x0] =	wrdreg $0x60  }
0xaf: {  	[dreg:$0x2] =	wrdreg s2  }
0xb0: {  	[dreg:$0x3] =	wrdreg s24  }
0xb1: {  	[dreg:$0x4] =	wrdreg s18  }
0xb2: {  	[dreg:$0x5] =	wrdreg $0x0  }
0xb3: {  	[dreg:$0x6] =	wrdreg $0x140000  }
0xb4: {  	[dreg:$0x7] =	wrdreg $0x9  }
0xb5: {  	_ =	task.clear_ibuf [dreg:s8], $0x8FFFF;
	_ =	strace $0x90000046  }
0xb6: {  	s29 =	simm.s32 $0x9;
	_ =	strace $0x80000048  }
0xb7: {  	_ =	swait.ge [sflag:s29], $0x1  }
0xb8: {  	[sflag:s29] =	ssyncadd.s32 $0xFFFFFFFF  }
0xb9: {  	_ =	strace $0x90000048  }
0xba: {  	_ =	sfence  }
0xbb: {  	s30 =	sld [smem:$0x0];
	_ =	sdelay $0x2  }
0xbc: {  	s31 =	sshll.u32 s1, $0xD;
	s1 =	sshrl.u32 s1, $0x2  }
0xbd: {  	s3 =	sand.u32 $0x4000, s31;
	s1 =	sadd.s32 s1, s30  }
0xbe: {  	s0 =	sor.u32 s3, s0;
	s1 =	sshll.u32 s1, $0x11  }
0xbf: {  	s0 =	sor.u32 s1, s0  }
0xc0: {  	s0 =	sadd.s32 $0x8F2B, s0  }
0xc1: {  	[sflag:s0] =	ssyncadd.remote.s32 $0x1  }
0xc2: {  	_ =	sfence.sel $0xFFFF  }
0xc3: {  	[dreg:$0x0] =	wrdreg $0xFFFFFFFF;
	(pc) =	sbr.abs _section_cstart, $3  }
0xc4: {  	[dreg:$0x1] =	wrdreg $0xFFFFFFFF  }
0xc5: {  	_ =	task.clear_ibuf [dreg:s8], $0x2FFFF;
	_ =	strace $0x9FFFFFFF  }
0xc6: {  	(tm) =	ssettm $0x7FFFFFFF  }
0xc7: {  	_ =	shalt  }
tec
execute0_lowered:
.L_overlay_start_1:
0x0: {  	(tag) =	ssettag $0x1  }
0x1: {  	s1 =	rddreg [dreg:$0x0]  }
0x2: {  	s0 =	rddreg [dreg:$0x1]  }
0x3: {  	s2 =	rddreg [dreg:$0x3]  }
0x4: {  	s24 =	stileid.u32;
	s3 =	srdreg.scid  }
0x5: {  	s4 =	rddreg [dreg:$0x4];
	s6 =	smul.u32 $0x280, s24  }
0x6: {  	s5 =	simm.s32 $0x0;
	s28 =	simm.s32 $0x1;
	s8 =	smul.u32 $0x1F400, s24  }
0x7: {  	s30 =	simm.s32 $0x16A00;
	s3 =	sand.u32 $0x1, s3;
	s20 =	smul.u32 $0x500, s24  }
0x8: {  	[smem:$0x7FF] =	sst s5;
	s12 =	sadd.s32 $0xC800, s0;
	s10 =	smul.u32 $0x50000, s24  }
0x9: {  	s13 =	sadd.s32 $0x2800, s0;
	s9 =	sadd.s32 $0x16E00, s0;
	s15 =	smul.u32 $0x2800, s24  }
0xa: {  	s26 =	smul.u32 $0x7D000, s24;
	p0 =	sgt.u32 s24, $0x9;
	s24 =	simm.s32 $0x14280  }
0xb: {  	s29 =	simm.s32 $0x2;
	s7 =	smul.u32 $0x138800, s3;
	_ =	strace $0x80000047  }
0xc: {  	[dreg:$0x6] =	wrdreg s9;
	s21 =	sshll.u32 s3, $0x7;
	s22 =	ssub.s32 $0x2, s3  }
0xd: {  	s3 =	smul.u32 $0x28000, s3;
	s18 =	sshrl.u32 s6, $0x3;
	s11 =	sshrl.u32 s22, $0x1  }
0xe: {  	s23 =	sshrl.u32 s10, $0x2;
	s6 =	sadd.s32 s6, s4;
	s31 =	sshrl.u32 s26, $0x2  }
0xf: {  	s26 =	simm.s32 $0x80;
	s7 =	sadd.s32 s8, s7;
	s19 =	sadd.s32 s18, s0  }
0x10: {  	s16 =	ssub.s32 s22, s11;
	[dreg:$0x7] =	wrdreg s6;
	s3 =	sadd.s32 s15, s3  }
0x11: {  	s22 =	simm.s32 $0x3;
	s7 =	sshrl.u32 s7, $0x3;
	s25 =	sadd.s32 $0x16800, s19  }
0x12: {  	s3 =	sshrl.u32 s3, $0x3;
	s16 =	smax.u32 s16, $0x1;
	s14 =	sadd.s32 s7, s0  }
0x13: {  	s7 =	sor.u32 s21, s20;
	[dreg:$0x8] =	wrdreg s25;
	s10 =	sadd.s32 s12, s3  }
0x14: {  	s11 =	sadd.s32 s13, s3;
	s3 =	sadd.s32 $0x280, s3;
	s21 =	simm.s32 $0x16A80  }
0x15: {  	s7 =	sshrl.u32 s7, $0x3;
	s12 =	sadd.s32 s12, s3;
	s13 =	sadd.s32 s13, s3  }
0x16: {  	s14 =	sadd.s32 $0x18000, s14;
	s0 =	sadd.s32 s7, s0;
	s7 =	sadd.s32 s23, s2  }
0x17: {  	s2 =	sadd.s32 s31, s2;
	s23 =	simm.s32 $0x1EA80;
	s15 =	sadd.s32 $0x17600, s0  }
0x18: {  	s17 =	sadd.s32 $0x4000, s7;
	s18 =	sadd.s32 $0x8000, s7;
	s19 =	sadd.s32 $0xC000, s7  }
0x19: {  	s20 =	sadd.s32 $0x10000, s7;
	s25 =	sshrl.u32 @!p0 s2, $0x3;
	s2 =	simm.s32 $0x0  }
.LBB2_1:
0x1a: {  	s0 =	rddreg [dreg:$0x6]  }
0x1b: {  	[tilespmem:s21], [sflag:$0x3] =	stream.linear.gather [hbm4b:s0+s5], $0x4000, $0x38;
	[tilespmem:$0x1EB00] =	vst v63  }
0x1c: {  	_ =	swait.ge [sflag:s22], $0x4000  }
0x1d: {  	[sflag:s22] =	ssyncset.done $0x0  }
0x1e: {  	[sflag:s22] =	ssyncadd.s32 $0xFFFFC000  }
0x1f: {  	s6 =	rddreg [dreg:$0x2]  }
0x20: {  	[tilespmem:s23], [sflag:$0x3] =	stream.linear.gather [hbm4b:s6+s5], $0x80, $0x38;
	[tilespmem:$0x1EB00] =	vst v63  }
0x21: {  	_ =	swait.ge [sflag:s22], $0x80  }
0x22: {  	[sflag:s22] =	ssyncset.done $0x0  }
0x23: {  	[sflag:s22] =	ssyncadd.s32 $0xFFFFFF80  }
0x24: {  	[spmem:s7] =	stream.linear.scatter [tilespmem:s21], [sflag:$0x3], $0x4000, $0x38;
	[tilespmem:$0x1EB00] =	vst v63  }
0x25: {  	_ =	swait.ge [sflag:s22], $0x4000  }
0x26: {  	[sflag:s22] =	ssyncset.done $0x0  }
0x27: {  	[sflag:s22] =	ssyncadd.s32 $0xFFFFC000  }
0x28: {  	[spmem:s17] =	stream.linear.scatter [tilespmem:s21], [sflag:$0x3], $0x4000, $0x38;
	[tilespmem:$0x1EB00] =	vst v63  }
0x29: {  	_ =	swait.ge [sflag:s22], $0x4000  }
0x2a: {  	[sflag:s22] =	ssyncset.done $0x0  }
0x2b: {  	[sflag:s22] =	ssyncadd.s32 $0xFFFFC000  }
0x2c: {  	[spmem:s18] =	stream.linear.scatter [tilespmem:s21], [sflag:$0x3], $0x4000, $0x38;
	[tilespmem:$0x1EB00] =	vst v63  }
0x2d: {  	_ =	swait.ge [sflag:s22], $0x4000  }
0x2e: {  	[sflag:s22] =	ssyncset.done $0x0  }
0x2f: {  	[sflag:s22] =	ssyncadd.s32 $0xFFFFC000  }
0x30: {  	[spmem:s19] =	stream.linear.scatter [tilespmem:s21], [sflag:$0x3], $0x4000, $0x38;
	[tilespmem:$0x1EB00] =	vst v63  }
0x31: {  	_ =	swait.ge [sflag:s22], $0x4000  }
0x32: {  	[sflag:s22] =	ssyncset.done $0x0  }
0x33: {  	s8 =	stileid.u32;
	[sflag:s22] =	ssyncadd.s32 $0xFFFFC000  }
0x34: {  	[spmem:s20] =	stream.linear.scatter [tilespmem:s21], [sflag:$0x3], $0x4000, $0x38;
	[tilespmem:$0x1EB00] =	vst v63  }
0x35: {  	s0 =	sshll.u32 s8, $0x6;
	_ =	swait.ge [sflag:s22], $0x4000  }
0x36: {  	s0 =	sor.u32 $0x1C03, s0;
	[sflag:s22] =	ssyncset.done $0x0;
	s3 =	rddreg [dreg:$0x7]  }
0x37: {  	s9 =	rddreg [dreg:$0x8];
	[sflag:s22] =	ssyncadd.s32 $0xFFFFC000;
	s31 =	sshrl.u32 s3, $0x3  }
0x38: {  	[spmem:s31], [sflag:s0] =	dma.local [hbm:s9], $0x50  }
0x39: {  	_ =	swait.ge [sflag:s22], $0x50  }
0x3a: {  	[sflag:s22] =	ssyncset.done $0x0  }
0x3b: {  	[sflag:s22] =	ssyncadd.s32 $0xFFFFFFB0  }
0x3c: {  	[bflag:$0x0] =	sbarrier.arrive $0xFFFF  }
0x3d: {  	[tilespmem:s24], [sflag:$0x3] =	stream.linear.gather [hbm4b:s10+s5], $0x1400, $0x38;
	[tilespmem:$0x1EB00] =	vst v63  }
0x3e: {  	_ =	swait.ge [sflag:s22], $0x1400  }
0x3f: {  	[sflag:s22] =	ssyncset.done $0x0  }
0x40: {  	s3 =	simm.s32 $0x15680;
	[sflag:s22] =	ssyncadd.s32 $0xFFFFEC00  }
0x41: {  	[tilespmem:s3], [sflag:$0x3] =	stream.linear.gather [hbm4b:s11+s5], $0x1400, $0x38;
	[tilespmem:$0x1EB00] =	vst v63  }
0x42: {  	_ =	swait.ge [sflag:s22], $0x1400  }
0x43: {  	[sflag:s22] =	ssyncset.done $0x0  }
0x44: {  	[sflag:s22] =	ssyncadd.s32 $0xFFFFEC00  }
0x45: {  	[tilespmem:s21], [sflag:$0x1] =	stream.indirect.gather [hbm4b:s1+s26], $0x80, s24, s26, $0xb8;
	[tilespmem:$0x1EB00] =	vst v63  }
0x46: {  	_ =	swait.ge [sflag:s28], $0x4000  }
0x47: {  	s6 =	sxor.u32 $0xFFFFFFFF, s5;
	[sflag:s28] =	ssyncset.done $0x0  }
0x48: {  	s8 =	sand.u32 $0x4000, s6;
	[sflag:s28] =	ssyncadd.s32 $0xFFFFC000  }
0x49: {  	[spmem:s4] =	stream.indirect.scatter.add.f32 [tilespmem:s23], [sflag:$0x2], $0x1, s3, s26, $0xb8;
	[tilespmem:$0x1EB00] =	vst v63  }
0x4a: {  	s6 =	simm.s32 $0x14300;
	s8 =	sadd.s32 $0x16A80, s8  }
0x4b: {  	[tilespmem:s8], [sflag:$0x1] =	stream.indirect.gather [hbm4b:s1+s26], $0x80, s6, s26, $0xb8;
	[tilespmem:$0x1EB00] =	vst v63  }
0x4c: {  	s8 =	simm.s32 $0x4000;
	_ =	swait.ge [sflag:s29], $0x10  }
.LBB2_2:
0x4d: {  	[sflag:s29] =	ssyncset.done $0x0  }
0x4e: {  	s6 =	sadd.s32 $0x80, s6;
	s3 =	sadd.s32 $0x80, s3;
	s9 =	smov.u32 s8  }
0x4f: {  	p1 =	sne.s32 s8, $0x98000;
	s8 =	sadd.s32 $0x4000, s8;
	[sflag:s29] =	ssyncadd.s32 $0xFFFFFFF0  }
0x50: {  	_ =	swait.ge [sflag:s28], $0x4000  }
0x51: {  	[sflag:s28] =	ssyncset.done $0x0  }
0x52: {  	s9 =	sxor.u32 $0xFFFFFFFF, s9;
	[sflag:s28] =	ssyncadd.s32 $0xFFFFC000  }
0x53: {  	[spmem:s4] =	stream.indirect.scatter.add.f32 [tilespmem:s23], [sflag:$0x2], $0x1, s3, s26, $0xb8;
	[tilespmem:$0x1EB00] =	vst v63  }
.Ltmp0:
0x54: {  	_ = 	snop;
	(pc) =	sbr.rel @p1 .LBB2_2-.Ltmp0, $4  }
0x55: {  	s9 =	sand.u32 $0x4000, s9  }
0x56: {  	s9 =	sadd.s32 $0x16A80, s9  }
0x57: {  	[tilespmem:s9], [sflag:$0x1] =	stream.indirect.gather [hbm4b:s1+s26], $0x80, s6, s26, $0xb8;
	[tilespmem:$0x1EB00] =	vst v63  }
0x58: {  	_ =	swait.ge [sflag:s29], $0x10  }
0x59: {  	[sflag:s29] =	ssyncset.done $0x0  }
0x5a: {  	[sflag:s29] =	ssyncadd.s32 $0xFFFFFFF0  }
0x5b: {  	_ =	swait.ge [sflag:s28], $0x4000  }
0x5c: {  	[sflag:s28] =	ssyncset.done $0x0  }
0x5d: {  	[sflag:s28] =	ssyncadd.s32 $0xFFFFC000  }
0x5e: {  	[spmem:s4] =	stream.indirect.scatter.add.f32 [tilespmem:s23], [sflag:$0x2], $0x1, s30, s26, $0xb8;
	[tilespmem:$0x1EB00] =	vst v63  }
0x5f: {  	_ =	swait.ge [sflag:s29], $0x10  }
0x60: {  	[sflag:s29] =	ssyncset.done $0x0  }
0x61: {  	s6 =	simm.s32 $0x0;
	[sflag:s29] =	ssyncadd.s32 $0xFFFFFFF0  }
0x62: {  	[tilespmem:s24], [sflag:$0x3] =	stream.linear.gather [hbm4b:s12+s6], $0x1400, $0x38;
	[tilespmem:$0x1EB00] =	vst v63  }
0x63: {  	_ =	swait.ge [sflag:s22], $0x1400  }
0x64: {  	[sflag:s22] =	ssyncset.done $0x0  }
0x65: {  	s3 =	simm.s32 $0x15680;
	[sflag:s22] =	ssyncadd.s32 $0xFFFFEC00  }
0x66: {  	[tilespmem:s3], [sflag:$0x3] =	stream.linear.gather [hbm4b:s13+s6], $0x1400, $0x38;
	[tilespmem:$0x1EB00] =	vst v63  }
0x67: {  	_ =	swait.ge [sflag:s22], $0x1400  }
0x68: {  	[sflag:s22] =	ssyncset.done $0x0  }
0x69: {  	[sflag:s22] =	ssyncadd.s32 $0xFFFFEC00  }
0x6a: {  	[tilespmem:s21], [sflag:$0x1] =	stream.indirect.gather [hbm4b:s1+s26], $0x80, s24, s26, $0xb8;
	[tilespmem:$0x1EB00] =	vst v63  }
0x6b: {  	_ =	swait.ge [sflag:s28], $0x4000  }
0x6c: {  	s6 =	sxor.u32 $0xFFFFFFFF, s6;
	[sflag:s28] =	ssyncset.done $0x0  }
0x6d: {  	s8 =	sand.u32 $0x4000, s6;
	[sflag:s28] =	ssyncadd.s32 $0xFFFFC000  }
0x6e: {  	[spmem:s4] =	stream.indirect.scatter.add.f32 [tilespmem:s23], [sflag:$0x2], $0x1, s3, s26, $0xb8;
	[tilespmem:$0x1EB00] =	vst v63  }
0x6f: {  	s6 =	simm.s32 $0x14300;
	s8 =	sadd.s32 $0x16A80, s8  }
0x70: {  	[tilespmem:s8], [sflag:$0x1] =	stream.indirect.gather [hbm4b:s1+s26], $0x80, s6, s26, $0xb8;
	[tilespmem:$0x1EB00] =	vst v63  }
0x71: {  	s8 =	simm.s32 $0x4000;
	_ =	swait.ge [sflag:s29], $0x10  }
.LBB2_4:
0x72: {  	[sflag:s29] =	ssyncset.done $0x0  }
0x73: {  	s6 =	sadd.s32 $0x80, s6;
	s3 =	sadd.s32 $0x80, s3;
	s9 =	smov.u32 s8  }
0x74: {  	p1 =	sne.s32 s8, $0x98000;
	s8 =	sadd.s32 $0x4000, s8;
	[sflag:s29] =	ssyncadd.s32 $0xFFFFFFF0  }
0x75: {  	_ =	swait.ge [sflag:s28], $0x4000  }
0x76: {  	[sflag:s28] =	ssyncset.done $0x0  }
0x77: {  	s9 =	sxor.u32 $0xFFFFFFFF, s9;
	[sflag:s28] =	ssyncadd.s32 $0xFFFFC000  }
0x78: {  	[spmem:s4] =	stream.indirect.scatter.add.f32 [tilespmem:s23], [sflag:$0x2], $0x1, s3, s26, $0xb8;
	[tilespmem:$0x1EB00] =	vst v63  }
.Ltmp1:
0x79: {  	_ = 	snop;
	(pc) =	sbr.rel @p1 .LBB2_4-.Ltmp1, $4  }
0x7a: {  	s9 =	sand.u32 $0x4000, s9  }
0x7b: {  	s9 =	sadd.s32 $0x16A80, s9  }
0x7c: {  	[tilespmem:s9], [sflag:$0x1] =	stream.indirect.gather [hbm4b:s1+s26], $0x80, s6, s26, $0xb8;
	[tilespmem:$0x1EB00] =	vst v63  }
0x7d: {  	_ =	swait.ge [sflag:s29], $0x10  }
0x7e: {  	[sflag:s29] =	ssyncset.done $0x0  }
0x7f: {  	[sflag:s29] =	ssyncadd.s32 $0xFFFFFFF0  }
0x80: {  	_ =	swait.ge [sflag:s28], $0x4000  }
0x81: {  	[sflag:s28] =	ssyncset.done $0x0  }
0x82: {  	[sflag:s28] =	ssyncadd.s32 $0xFFFFC000  }
0x83: {  	[spmem:s4] =	stream.indirect.scatter.add.f32 [tilespmem:s23], [sflag:$0x2], $0x1, s30, s26, $0xb8;
	[tilespmem:$0x1EB00] =	vst v63  }
0x84: {  	_ =	swait.ge [sflag:s29], $0x10  }
0x85: {  	[sflag:s29] =	ssyncset.done $0x0  }
0x86: {  	[sflag:s29] =	ssyncadd.s32 $0xFFFFFFF0  }
0x87: {  	s3 =	simm.s32 @!p0 $0x3;
	[bflag:$0x0] =	sbarrier.arrive $0xFFFF  }
0x88: {  	[hbm:s14], [sflag:s0] =	dma.local @!p0 [spmem:s25], $0x3E80  }
0x89: {  	s2 =	sadd.s32 $0x1, s2;
	_ =	swait.ge @!p0 [sflag:s3], $0x3E80  }
0x8a: {  	s9 =	simm.s32 $0x20;
	p1 =	sne.s32 s2, s16;
	[sflag:s3] =	ssyncset.done @!p0 $0x0  }
.Ltmp2:
0x8b: {  	s6 =	simm.s32 $0x10;
	[sflag:s3] =	ssyncadd.s32 @!p0 $0xFFFFC180;
	(pc) =	sbr.rel @p1 .LBB2_1-.Ltmp2, $4  }
0x8c: {  	[hbm:s15@s9], [sflag:s0] =	dma.strided [spmem:s31@s6], $0x50, s28, $0x10   }
0x8d: {  	_ =	swait.ge [sflag:s22], $0x50  }
0x8e: {  	[sflag:s22] =	ssyncset.done $0x0  }
0x8f: {  	[sflag:s22] =	ssyncadd.s32 $0xFFFFFFB0  }
0x90: {  	_ =	sfence.sel $0x180000  }
0x91: {  	[bflag:$0x0] =	sbarrier.arrive $0xFFFF  }
0x92: {  	_ =	strace $0x90000047  }
0x93: {  	s0 =	stileid.u32;
	[bflag:$0x2] =	sbarrier.arrive $0xFFFF  }
0x94: {  	p0 =	sne.s32 s0, $0x0;
	s0 =	rddreg [dreg:$0x5]  }
0x95: {  	s0 =	sadd.s32 @!p0 $0x100000, s0  }
0x96: {  	[sflag:s0] =	ssyncadd.tile.s32 @!p0 $0x1;
	_ =	shalt  }
.Lfunc_end2:
_tile_overlayer_lowered:
.L_overlay_start_2:
0x97: {  	(tag) =	ssettag $0x2  }
0x98: {  	s0 =	rddreg [dreg:$0x0];
	s2 =	stileid.u32  }
0x99: {  	s1 =	rddreg [dreg:$0x1];
	p0 =	sne.s32 s2, $0x0  }
0x9a: {  	s3 =	rddreg [dreg:$0x2];
	[bflag:$0x3] =	sbarrier.arrive $0xFFFF;
	s2 =	simm.s32 @!p0 $0x1C03  }
0x9b: {  	[timem:s3], [sflag:s2] =	dma.local @!p0 [hbm:s0], s1  }
0x9c: {  	s0 =	simm.s32 @!p0 $0x3  }
0x9d: {  	_ =	swait.ge @!p0 [sflag:s0], s1  }
0x9e: {  	s1 =	ssub.s32 @!p0 $0x0, s1;
	[sflag:s0] =	ssyncset.done @!p0 $0x0  }
0x9f: {  	[sflag:s0] =	ssyncadd.s32 @!p0 s1  }
0xa0: {  	[bflag:$0x3] =	sbarrier.arrive $0xFFFF  }
0xa1: {  	_ =	shalt  }

// kernel: kernel.9.cloned.1.call-start
scs
__scs_entry_jumppad:
0x0: {  	(pc) =	sbr.rel $0x88, $3  }
0x1: {  	(tag) =	ssettag $0x0;
	lr =	simm.s32 $0x1  }
0x2: {  	[smem:$0x3F94] =	sst lr;
	_ =	strace $0xD0000000  }
0x3: {  	_ = 	snop  }
0x4: {  	_ = 	snop  }
0x5: {  	_ = 	snop  }
0x6: {  	_ = 	snop  }
0x7: {  	_ = 	snop  }
__scs_overlays_trampoline_lowered:
0x8: {  	[smem:$0x3FA3] =	sst s0  }
0x9: {  	[smem:$0x3FA4] =	sst s1  }
0xa: {  	[smem:$0x3FA5] =	sst s2  }
0xb: {  	[smem:$0x3FA6] =	sst s3  }
0xc: {  	[smem:$0x3FA7] =	sst s4  }
0xd: {  	[smem:$0x3FA8] =	sst s5  }
0xe: {  	[smem:$0x3FA9] =	sst s6  }
0xf: {  	[smem:$0x3FAA] =	sst s7  }
0x10: {  	[smem:$0x3FAB] =	sst s8  }
0x11: {  	[smem:$0x3FAC] =	sst s9;
	s0 =	simm.s32 @!p0 $0x0  }
0x12: {  	s1 =	sld [smem:$0x3F92];
	s0 =	simm.s32 @p0 $0x1  }
0x13: {  	[smem:$0x3FAD] =	sst s0;
	s0 =	simm.s32 @!p1 $0x0  }
0x14: {  	s2 =	sld [smem:$0x3F91];
	s0 =	simm.s32 @p1 $0x1  }
0x15: {  	[smem:$0x3FAE] =	sst s0;
	s0 =	simm.s32 @!p2 $0x0  }
0x16: {  	s3 =	sld [smem:$0x3FDB];
	s0 =	simm.s32 @p2 $0x1  }
0x17: {  	s4 =	simm.s32 $0x1BF5;
	[smem:$0x3FB0] =	sst s0  }
0x18: {  	s0 =	sld [smem:$0x3F93];
	_ =	swait.ge [sflag:s4], $0x0  }
0x19: {  	s7 =	sld [smem:$0x3F94]  }
0x1a: {  	s8 =	sadd.s32 $0xFFFFE003, lr  }
0x1b: {  	s9 =	sadd.s32 $0xFFFFFEF7, lr;
	s5 =	simm.s32 $0xFFFFFFFF;
	p2 =	slt.u32 s8, $0xFFFFF086  }
0x1c: {  	p1 =	slt.u32 s9, $0xF7A;
	s5 =	simm.s32 @!p2 $0x0  }
0x1d: {  	s5 =	simm.s32 @p1 $0x1;
	p0 =	seq.s32 s7, s2  }
0x1e: {  	s7 =	smul.u32 @!p0 $0xF7A, s2;
	p2 =	seq.s32 @!p0 s5, $0x0  }
0x1f: {  	s9 =	smul.u32 $0xF7A, s1;
	s8 =	simm.s32 @!p0 $0x1BF5;
	p2 =	por !p2, p0  }
0x20: {  	[sflag:s8] =	ssyncset.s32 @!p0 $0xFFFFF086;
	s6 =	sadd.s32 @!p0 s3, s7;
	s7 =	simm.s32 @!p0 $0x108  }
0x21: {  	s3 =	sadd.s32 s3, s9;
	s6 =	sadd.s32 @!p0 $0x88, s6;
	s7 =	simm.s32 @p2 $0x1082  }
0x22: {  	[simem:s7], [sflag:s8] =	dma.local @!p0 [hbm:s6], $0xF7A  }
0x23: {  	s9 =	sor.u32 $0xD0000000, s2;
	s6 =	simm.s32 $0x108;
	_ =	swait.ge @!p0 [sflag:s8], $0x0  }
0x24: {  	s3 =	sadd.s32 $0x88, s3;
	s6 =	simm.s32 @!p1 $0x1082;
	[sflag:s4] =	ssyncset.s32 $0xFFFFF086  }
0x25: {  	[simem:s6], [sflag:s4] =	dma.local [hbm:s3], $0xF7A  }
0x26: {  	[smem:$0x3F94] =	sst s1;
	(tag) =	ssettag s2;
	_ =	strace s9  }
0x27: {  	s1 =	sld [smem:$0x3FA4]  }
0x28: {  	s2 =	sld [smem:$0x3FA5]  }
0x29: {  	s4 =	sld [smem:$0x3FA7]  }
0x2a: {  	p0 =	seq.s32 s5, $0x0;
	s5 =	sld [smem:$0x3FA8]  }
0x2b: {  	s6 =	sld [smem:$0x3FA9]  }
0x2c: {  	s7 =	sld [smem:$0x3FAA]  }
0x2d: {  	s3 =	simm.s32 $0x108;
	s8 =	sld [smem:$0x3FAB]  }
0x2e: {  	s3 =	simm.s32 @!p0 $0x1082;
	s9 =	sld [smem:$0x3FAC]  }
0x2f: {  	lr =	sadd.s32 s0, s3;
	s0 =	sld [smem:$0x3FA3]  }
0x30: {  	s3 =	sld [smem:$0x3FA6]  }
0x31: {  	[smem:$0x3FAF] =	sst s10  }
0x32: {  	s10 =	sld [smem:$0x3FAD];
	_ =	sdelay $0x3  }
0x33: {  	p0 =	seq.s32 s10, $0x1;
	s10 =	sld [smem:$0x3FAF];
	_ =	sdelay $0x3  }
0x34: {  	[smem:$0x3FAF] =	sst s10  }
0x35: {  	s10 =	sld [smem:$0x3FAE];
	_ =	sdelay $0x3  }
0x36: {  	p1 =	seq.s32 s10, $0x1;
	s10 =	sld [smem:$0x3FAF];
	_ =	sdelay $0x3  }
0x37: {  	[smem:$0x3FAF] =	sst s10  }
0x38: {  	s10 =	sld [smem:$0x3FB0]  }
0x39: {  	_ = 	snop;
	(pc) =	sbr.ind lr, $3  }
0x3a: {  	_ = 	snop  }
0x3b: {  	_ = 	snop  }
0x3c: {  	p2 =	seq.s32 s10, $0x1;
	s10 =	sld [smem:$0x3FAF]  }
0x3d: {  	_ =	shalt  }
0x3e: {  	_ =	shalt  }
0x3f: {  	_ =	shalt  }
0x40: {  	_ =	shalt  }
0x41: {  	_ =	shalt  }
0x42: {  	_ =	shalt  }
0x43: {  	_ =	shalt  }
0x44: {  	_ =	shalt  }
0x45: {  	_ =	shalt  }
0x46: {  	_ =	shalt  }
0x47: {  	_ =	shalt  }
0x48: {  	_ =	shalt  }
0x49: {  	_ =	shalt  }
0x4a: {  	_ =	shalt  }
0x4b: {  	_ =	shalt  }
0x4c: {  	_ =	shalt  }
0x4d: {  	_ =	shalt  }
0x4e: {  	_ =	shalt  }
0x4f: {  	_ =	shalt  }
0x50: {  	_ =	shalt  }
0x51: {  	_ =	shalt  }
0x52: {  	_ =	shalt  }
0x53: {  	_ =	shalt  }
0x54: {  	_ =	shalt  }
0x55: {  	_ =	shalt  }
0x56: {  	_ =	shalt  }
0x57: {  	_ =	shalt  }
0x58: {  	_ =	shalt  }
0x59: {  	_ =	shalt  }
0x5a: {  	_ =	shalt  }
0x5b: {  	_ =	shalt  }
0x5c: {  	_ =	shalt  }
0x5d: {  	_ =	shalt  }
0x5e: {  	_ =	shalt  }
0x5f: {  	_ =	shalt  }
0x60: {  	_ =	shalt  }
0x61: {  	_ =	shalt  }
0x62: {  	_ =	shalt  }
0x63: {  	_ =	shalt  }
0x64: {  	_ =	shalt  }
0x65: {  	_ =	shalt  }
0x66: {  	_ =	shalt  }
0x67: {  	_ =	shalt  }
0x68: {  	_ =	shalt  }
0x69: {  	_ =	shalt  }
0x6a: {  	_ =	shalt  }
0x6b: {  	_ =	shalt  }
0x6c: {  	_ =	shalt  }
0x6d: {  	_ =	shalt  }
0x6e: {  	_ =	shalt  }
0x6f: {  	_ =	shalt  }
0x70: {  	_ =	shalt  }
0x71: {  	_ =	shalt  }
0x72: {  	_ =	shalt  }
0x73: {  	_ =	shalt  }
0x74: {  	_ =	shalt  }
0x75: {  	_ =	shalt  }
0x76: {  	_ =	shalt  }
0x77: {  	_ =	shalt  }
0x78: {  	_ =	shalt  }
0x79: {  	_ =	shalt  }
0x7a: {  	_ =	shalt  }
0x7b: {  	_ =	shalt  }
0x7c: {  	_ =	shalt  }
0x7d: {  	_ =	shalt  }
0x7e: {  	_ =	shalt  }
0x7f: {  	_ =	shalt  }
0x80: {  	_ =	shalt  }
0x81: {  	_ =	shalt  }
0x82: {  	_ =	shalt  }
0x83: {  	_ =	shalt  }
0x84: {  	_ =	shalt  }
0x85: {  	_ =	shalt  }
0x86: {  	_ =	shalt  }
0x87: {  	_ =	shalt  }
.Lfunc_end0:
.L_simem_size_0:
called_computation.1_lowered:
.L_overlay_start_0:
0x88: {  	s2 =	sld [smem:$0x3FD9]  }
0x89: {  	s3 =	sld [smem:$0x3FFE];
	_ =	sdelay $0x1  }
0x8a: {  	s1 =	srdreg.scid  }
0x8b: {  	s0 =	sand.u32 $0x1, s1  }
0x8c: {  	s17 =	sshll.u32 s0, $0xA;
	s2 =	sadd.s32 s3, s2  }
0x8d: {  	s2 =	sadd.s32 s2, s17  }
0x8e: {  	[smem:$0x3FBB] =	sst s2  }
0x8f: {  	_ = 	snop  }
0x90: {  	s2 =	sld [smem:$0x3FD0];
	(tm) =	ssettm $0x1  }
0x91: {  	s18 =	sld [smem:$0x3FFB];
	_ =	sdelay $0x3  }
0x92: {  	_ =	strace s18  }
0x93: {  	s3 =	sld [smem:$0x3FFC];
	_ =	sdelay $0x3  }
0x94: {  	_ =	strace s3  }
0x95: {  	s3 =	sld [smem:$0x3FFD];
	_ =	sdelay $0x3  }
0x96: {  	_ =	strace s3  }
0x97: {  	_ =	strace $0x8FFFFFFF  }
0x98: {  	s19 =	sld [smem:$0x3FDB];
	_ =	sdelay $0x1  }
0x99: {  	s4 =	simm.s32 $_scs_section_size  }
0x9a: {  	s5 =	simm.s32 $_size__tile_overlayer_lowered;
	s6 =	simm.s32 $_tile_overlayer_lowered  }
0x9b: {  	s22 =	simm.s32 $0x1BFF;
	s21 =	sshll.u32 s6, $0x1;
	s3 =	sadd.s32 s4, s19  }
0x9c: {  	s7 =	simm.s32 $0x0;
	s20 =	sshll.u32 s5, $0x1;
	s5 =	sadd.s32 s21, s3  }
0x9d: {  	[timem:s7], [sflag:s22] =	dma.local [hbm:s5], s20  }
0x9e: {  	_ =	swait.ge [sflag:s22], s20  }
0x9f: {  	s4 =	ssub.s32 $0x0, s20;
	[sflag:s22] =	ssyncset.done $0x0  }
0xa0: {  	[sflag:s22] =	ssyncadd.s32 s4;
	_ =	sdelay $0x1  }
0xa1: {  	s23 =	simm.s32 $0x1B8B  }
0xa2: {  	_ =	swait.ge [sflag:s23], $0x1  }
0xa3: {  	[sflag:s23] =	ssyncset.done $0x0  }
0xa4: {  	s25 =	simm.s32 $0x1B8E;
	s24 =	sld [smem:$0x3FFE];
	[sflag:s23] =	ssyncadd.s32 $0xFFFFFFFF  }
0xa5: {  	s26 =	simm.s32 $execute0_lowered;
	[smem:$0x3FD2] =	sst s25  }
0xa6: {  	s5 =	sshll.u32 s26, $0x1;
	_ =	strace $0x80000049;
	[dreg:$0x1] =	wrdreg $0xFFFFFFFF  }
0xa7: {  	s28 =	simm.s32 $_size_execute0_lowered;
	s3 =	sadd.s32 s3, s5;
	[dreg:$0x0] =	wrdreg $0x0  }
0xa8: {  	s5 =	sshll.u32 s28, $0x1;
	[dreg:$0x2] =	wrdreg s3  }
0xa9: {  	[dreg:$0x3] =	wrdreg s5  }
0xaa: {  	[dreg:$0x4] =	wrdreg $0xC0  }
0xab: {  	_ =	task [dreg:s7], $0x5FFFF  }
0xac: {  	[dreg:$0x1] =	wrdreg $0xFFFFFFFF  }
0xad: {  	[dreg:$0x0] =	wrdreg $0x60  }
0xae: {  	[dreg:$0x2] =	wrdreg s24  }
0xaf: {  	[dreg:$0x3] =	wrdreg s2  }
0xb0: {  	[dreg:$0x4] =	wrdreg $0x0  }
0xb1: {  	[dreg:$0x5] =	wrdreg $0x140000  }
0xb2: {  	[dreg:$0x6] =	wrdreg $0x9  }
0xb3: {  	_ =	task.clear_ibuf [dreg:s7], $0x7FFFF;
	_ =	strace $0x90000049  }
0xb4: {  	s29 =	simm.s32 $0x9;
	_ =	strace $0x8000004B  }
0xb5: {  	_ =	swait.ge [sflag:s29], $0x1  }
0xb6: {  	[sflag:s29] =	ssyncadd.s32 $0xFFFFFFFF  }
0xb7: {  	_ =	strace $0x9000004B  }
0xb8: {  	_ =	sfence  }
0xb9: {  	s30 =	sld [smem:$0x0];
	_ =	sdelay $0x2  }
0xba: {  	s31 =	sshll.u32 s1, $0xD;
	s1 =	sshrl.u32 s1, $0x2  }
0xbb: {  	s3 =	sand.u32 $0x4000, s31;
	s1 =	sadd.s32 s1, s30  }
0xbc: {  	s0 =	sor.u32 s3, s0;
	s1 =	sshll.u32 s1, $0x11  }
0xbd: {  	s0 =	sor.u32 s1, s0  }
0xbe: {  	s0 =	sadd.s32 $0x8F2B, s0  }
0xbf: {  	[sflag:s0] =	ssyncadd.remote.s32 $0x1  }
0xc0: {  	_ =	sfence.sel $0xFFFF  }
0xc1: {  	[dreg:$0x0] =	wrdreg $0xFFFFFFFF;
	(pc) =	sbr.abs _section_cstart, $3  }
0xc2: {  	[dreg:$0x1] =	wrdreg $0xFFFFFFFF  }
0xc3: {  	_ =	task.clear_ibuf [dreg:s7], $0x2FFFF;
	_ =	strace $0x9FFFFFFF  }
0xc4: {  	(tm) =	ssettm $0x7FFFFFFF  }
0xc5: {  	_ =	shalt  }
tec
execute0_lowered:
.L_overlay_start_1:
0x0: {  	(tag) =	ssettag $0x1  }
0x1: {  	s0 =	rddreg [dreg:$0x0]  }
0x2: {  	s1 =	rddreg [dreg:$0x2]  }
0x3: {  	s3 =	rddreg [dreg:$0x3];
	s24 =	stileid.u32  }
0x4: {  	s2 =	srdreg.scid;
	s4 =	simm.s32 $0x0;
	s6 =	smul.u32 $0x280, s24  }
0x5: {  	s28 =	simm.s32 $0x1;
	s30 =	simm.s32 $0x16A00;
	s8 =	smul.u32 $0x1F400, s24  }
0x6: {  	s2 =	sand.u32 $0x1, s2;
	[smem:$0x7FF] =	sst s4;
	s20 =	smul.u32 $0x500, s24  }
0x7: {  	s5 =	sadd.s32 $0x17600, s0;
	s12 =	sadd.s32 $0xC800, s0;
	s10 =	smul.u32 $0x50000, s24  }
0x8: {  	s13 =	sadd.s32 $0x2800, s0;
	s9 =	sadd.s32 $0x16E00, s0;
	s15 =	smul.u32 $0x2800, s24  }
0x9: {  	s26 =	smul.u32 $0x7D000, s24;
	p0 =	sgt.u32 s24, $0x9;
	s24 =	simm.s32 $0x14280  }
0xa: {  	s29 =	simm.s32 $0x2;
	s7 =	smul.u32 $0x138800, s2;
	_ =	strace $0x8000004A  }
0xb: {  	[dreg:$0x5] =	wrdreg s9;
	s21 =	sshll.u32 s2, $0x7;
	s22 =	ssub.s32 $0x2, s2  }
0xc: {  	s2 =	smul.u32 $0x28000, s2;
	s18 =	sshrl.u32 s6, $0x3;
	s11 =	sshrl.u32 s22, $0x1  }
0xd: {  	s23 =	sshrl.u32 s10, $0x2;
	s6 =	sadd.s32 s6, s3;
	s31 =	sshrl.u32 s26, $0x2  }
0xe: {  	s26 =	simm.s32 $0x80;
	s7 =	sadd.s32 s8, s7;
	s19 =	sadd.s32 s18, s0  }
0xf: {  	s16 =	ssub.s32 s22, s11;
	[dreg:$0x6] =	wrdreg s6;
	s2 =	sadd.s32 s15, s2  }
0x10: {  	s22 =	simm.s32 $0x3;
	s7 =	sshrl.u32 s7, $0x3;
	s25 =	sadd.s32 $0x16800, s19  }
0x11: {  	s2 =	sshrl.u32 s2, $0x3;
	s16 =	smax.u32 s16, $0x1;
	s14 =	sadd.s32 s7, s0  }
0x12: {  	s7 =	sor.u32 s21, s20;
	[dreg:$0x7] =	wrdreg s25;
	s10 =	sadd.s32 s12, s2  }
0x13: {  	s11 =	sadd.s32 s13, s2;
	s2 =	sadd.s32 $0x280, s2;
	s21 =	simm.s32 $0x16A80  }
0x14: {  	s7 =	sshrl.u32 s7, $0x3;
	s12 =	sadd.s32 s12, s2;
	s13 =	sadd.s32 s13, s2  }
0x15: {  	s14 =	sadd.s32 $0x3F200, s14;
	s2 =	simm.s32 $0x0;
	s0 =	sadd.s32 s7, s0  }
0x16: {  	s7 =	sadd.s32 s23, s1;
	s1 =	sadd.s32 s31, s1;
	s23 =	simm.s32 $0x1EA80  }
0x17: {  	s15 =	sadd.s32 $0x3E800, s0;
	s17 =	sadd.s32 $0x4000, s7;
	s18 =	sadd.s32 $0x8000, s7  }
0x18: {  	s19 =	sadd.s32 $0xC000, s7;
	s20 =	sadd.s32 $0x10000, s7;
	s25 =	sshrl.u32 @!p0 s1, $0x3  }
.LBB2_1:
0x19: {  	s0 =	rddreg [dreg:$0x5]  }
0x1a: {  	[tilespmem:s21], [sflag:$0x3] =	stream.linear.gather [hbm4b:s0+s4], $0x4000, $0x38;
	[tilespmem:$0x1EB00] =	vst v63  }
0x1b: {  	_ =	swait.ge [sflag:s22], $0x4000  }
0x1c: {  	[sflag:s22] =	ssyncset.done $0x0  }
0x1d: {  	[sflag:s22] =	ssyncadd.s32 $0xFFFFC000  }
0x1e: {  	s1 =	rddreg [dreg:$0x1]  }
0x1f: {  	[tilespmem:s23], [sflag:$0x3] =	stream.linear.gather [hbm4b:s1+s4], $0x80, $0x38;
	[tilespmem:$0x1EB00] =	vst v63  }
0x20: {  	_ =	swait.ge [sflag:s22], $0x80  }
0x21: {  	[sflag:s22] =	ssyncset.done $0x0  }
0x22: {  	[sflag:s22] =	ssyncadd.s32 $0xFFFFFF80  }
0x23: {  	[spmem:s7] =	stream.linear.scatter [tilespmem:s21], [sflag:$0x3], $0x4000, $0x38;
	[tilespmem:$0x1EB00] =	vst v63  }
0x24: {  	_ =	swait.ge [sflag:s22], $0x4000  }
0x25: {  	[sflag:s22] =	ssyncset.done $0x0  }
0x26: {  	[sflag:s22] =	ssyncadd.s32 $0xFFFFC000  }
0x27: {  	[spmem:s17] =	stream.linear.scatter [tilespmem:s21], [sflag:$0x3], $0x4000, $0x38;
	[tilespmem:$0x1EB00] =	vst v63  }
0x28: {  	_ =	swait.ge [sflag:s22], $0x4000  }
0x29: {  	[sflag:s22] =	ssyncset.done $0x0  }
0x2a: {  	[sflag:s22] =	ssyncadd.s32 $0xFFFFC000  }
0x2b: {  	[spmem:s18] =	stream.linear.scatter [tilespmem:s21], [sflag:$0x3], $0x4000, $0x38;
	[tilespmem:$0x1EB00] =	vst v63  }
0x2c: {  	_ =	swait.ge [sflag:s22], $0x4000  }
0x2d: {  	[sflag:s22] =	ssyncset.done $0x0  }
0x2e: {  	[sflag:s22] =	ssyncadd.s32 $0xFFFFC000  }
0x2f: {  	[spmem:s19] =	stream.linear.scatter [tilespmem:s21], [sflag:$0x3], $0x4000, $0x38;
	[tilespmem:$0x1EB00] =	vst v63  }
0x30: {  	_ =	swait.ge [sflag:s22], $0x4000  }
0x31: {  	[sflag:s22] =	ssyncset.done $0x0  }
0x32: {  	s6 =	stileid.u32;
	[sflag:s22] =	ssyncadd.s32 $0xFFFFC000  }
0x33: {  	[spmem:s20] =	stream.linear.scatter [tilespmem:s21], [sflag:$0x3], $0x4000, $0x38;
	[tilespmem:$0x1EB00] =	vst v63  }
0x34: {  	s0 =	sshll.u32 s6, $0x6;
	_ =	swait.ge [sflag:s22], $0x4000  }
0x35: {  	s1 =	sor.u32 $0x1C03, s0;
	[sflag:s22] =	ssyncset.done $0x0;
	s8 =	rddreg [dreg:$0x6]  }
0x36: {  	s9 =	rddreg [dreg:$0x7];
	[sflag:s22] =	ssyncadd.s32 $0xFFFFC000;
	s31 =	sshrl.u32 s8, $0x3  }
0x37: {  	[spmem:s31], [sflag:s1] =	dma.local [hbm:s9], $0x50  }
0x38: {  	_ =	swait.ge [sflag:s22], $0x50  }
0x39: {  	[sflag:s22] =	ssyncset.done $0x0  }
0x3a: {  	[sflag:s22] =	ssyncadd.s32 $0xFFFFFFB0  }
0x3b: {  	[bflag:$0x0] =	sbarrier.arrive $0xFFFF  }
0x3c: {  	[tilespmem:s24], [sflag:$0x3] =	stream.linear.gather [hbm4b:s10+s4], $0x1400, $0x38;
	[tilespmem:$0x1EB00] =	vst v63  }
0x3d: {  	_ =	swait.ge [sflag:s22], $0x1400  }
0x3e: {  	[sflag:s22] =	ssyncset.done $0x0  }
0x3f: {  	s0 =	simm.s32 $0x15680;
	[sflag:s22] =	ssyncadd.s32 $0xFFFFEC00  }
0x40: {  	[tilespmem:s0], [sflag:$0x3] =	stream.linear.gather [hbm4b:s11+s4], $0x1400, $0x38;
	[tilespmem:$0x1EB00] =	vst v63  }
0x41: {  	_ =	swait.ge [sflag:s22], $0x1400  }
0x42: {  	[sflag:s22] =	ssyncset.done $0x0  }
0x43: {  	[sflag:s22] =	ssyncadd.s32 $0xFFFFEC00  }
0x44: {  	[tilespmem:s21], [sflag:$0x1] =	stream.indirect.gather [hbm4b:s5+s26], $0x80, s24, s26, $0xb8;
	[tilespmem:$0x1EB00] =	vst v63  }
0x45: {  	_ =	swait.ge [sflag:s28], $0x4000  }
0x46: {  	s6 =	sxor.u32 $0xFFFFFFFF, s4;
	[sflag:s28] =	ssyncset.done $0x0  }
0x47: {  	s8 =	sand.u32 $0x4000, s6;
	[sflag:s28] =	ssyncadd.s32 $0xFFFFC000  }
0x48: {  	[spmem:s3] =	stream.indirect.scatter.add.f32 [tilespmem:s23], [sflag:$0x2], $0x1, s0, s26, $0xb8;
	[tilespmem:$0x1EB00] =	vst v63  }
0x49: {  	s6 =	simm.s32 $0x14300;
	s8 =	sadd.s32 $0x16A80, s8  }
0x4a: {  	[tilespmem:s8], [sflag:$0x1] =	stream.indirect.gather [hbm4b:s5+s26], $0x80, s6, s26, $0xb8;
	[tilespmem:$0x1EB00] =	vst v63  }
0x4b: {  	s8 =	simm.s32 $0x4000;
	_ =	swait.ge [sflag:s29], $0x10  }
.LBB2_2:
0x4c: {  	[sflag:s29] =	ssyncset.done $0x0  }
0x4d: {  	s6 =	sadd.s32 $0x80, s6;
	s0 =	sadd.s32 $0x80, s0;
	s9 =	smov.u32 s8  }
0x4e: {  	p1 =	sne.s32 s8, $0x98000;
	s8 =	sadd.s32 $0x4000, s8;
	[sflag:s29] =	ssyncadd.s32 $0xFFFFFFF0  }
0x4f: {  	_ =	swait.ge [sflag:s28], $0x4000  }
0x50: {  	[sflag:s28] =	ssyncset.done $0x0  }
0x51: {  	s9 =	sxor.u32 $0xFFFFFFFF, s9;
	[sflag:s28] =	ssyncadd.s32 $0xFFFFC000  }
0x52: {  	[spmem:s3] =	stream.indirect.scatter.add.f32 [tilespmem:s23], [sflag:$0x2], $0x1, s0, s26, $0xb8;
	[tilespmem:$0x1EB00] =	vst v63  }
.Ltmp0:
0x53: {  	_ = 	snop;
	(pc) =	sbr.rel @p1 .LBB2_2-.Ltmp0, $4  }
0x54: {  	s9 =	sand.u32 $0x4000, s9  }
0x55: {  	s9 =	sadd.s32 $0x16A80, s9  }
0x56: {  	[tilespmem:s9], [sflag:$0x1] =	stream.indirect.gather [hbm4b:s5+s26], $0x80, s6, s26, $0xb8;
	[tilespmem:$0x1EB00] =	vst v63  }
0x57: {  	_ =	swait.ge [sflag:s29], $0x10  }
0x58: {  	[sflag:s29] =	ssyncset.done $0x0  }
0x59: {  	[sflag:s29] =	ssyncadd.s32 $0xFFFFFFF0  }
0x5a: {  	_ =	swait.ge [sflag:s28], $0x4000  }
0x5b: {  	[sflag:s28] =	ssyncset.done $0x0  }
0x5c: {  	[sflag:s28] =	ssyncadd.s32 $0xFFFFC000  }
0x5d: {  	[spmem:s3] =	stream.indirect.scatter.add.f32 [tilespmem:s23], [sflag:$0x2], $0x1, s30, s26, $0xb8;
	[tilespmem:$0x1EB00] =	vst v63  }
0x5e: {  	_ =	swait.ge [sflag:s29], $0x10  }
0x5f: {  	[sflag:s29] =	ssyncset.done $0x0  }
0x60: {  	s6 =	simm.s32 $0x0;
	[sflag:s29] =	ssyncadd.s32 $0xFFFFFFF0  }
0x61: {  	[tilespmem:s24], [sflag:$0x3] =	stream.linear.gather [hbm4b:s12+s6], $0x1400, $0x38;
	[tilespmem:$0x1EB00] =	vst v63  }
0x62: {  	_ =	swait.ge [sflag:s22], $0x1400  }
0x63: {  	[sflag:s22] =	ssyncset.done $0x0  }
0x64: {  	s0 =	simm.s32 $0x15680;
	[sflag:s22] =	ssyncadd.s32 $0xFFFFEC00  }
0x65: {  	[tilespmem:s0], [sflag:$0x3] =	stream.linear.gather [hbm4b:s13+s6], $0x1400, $0x38;
	[tilespmem:$0x1EB00] =	vst v63  }
0x66: {  	_ =	swait.ge [sflag:s22], $0x1400  }
0x67: {  	[sflag:s22] =	ssyncset.done $0x0  }
0x68: {  	[sflag:s22] =	ssyncadd.s32 $0xFFFFEC00  }
0x69: {  	[tilespmem:s21], [sflag:$0x1] =	stream.indirect.gather [hbm4b:s5+s26], $0x80, s24, s26, $0xb8;
	[tilespmem:$0x1EB00] =	vst v63  }
0x6a: {  	_ =	swait.ge [sflag:s28], $0x4000  }
0x6b: {  	s6 =	sxor.u32 $0xFFFFFFFF, s6;
	[sflag:s28] =	ssyncset.done $0x0  }
0x6c: {  	s8 =	sand.u32 $0x4000, s6;
	[sflag:s28] =	ssyncadd.s32 $0xFFFFC000  }
0x6d: {  	[spmem:s3] =	stream.indirect.scatter.add.f32 [tilespmem:s23], [sflag:$0x2], $0x1, s0, s26, $0xb8;
	[tilespmem:$0x1EB00] =	vst v63  }
0x6e: {  	s6 =	simm.s32 $0x14300;
	s8 =	sadd.s32 $0x16A80, s8  }
0x6f: {  	[tilespmem:s8], [sflag:$0x1] =	stream.indirect.gather [hbm4b:s5+s26], $0x80, s6, s26, $0xb8;
	[tilespmem:$0x1EB00] =	vst v63  }
0x70: {  	s8 =	simm.s32 $0x4000;
	_ =	swait.ge [sflag:s29], $0x10  }
.LBB2_4:
0x71: {  	[sflag:s29] =	ssyncset.done $0x0  }
0x72: {  	s6 =	sadd.s32 $0x80, s6;
	s0 =	sadd.s32 $0x80, s0;
	s9 =	smov.u32 s8  }
0x73: {  	p1 =	sne.s32 s8, $0x98000;
	s8 =	sadd.s32 $0x4000, s8;
	[sflag:s29] =	ssyncadd.s32 $0xFFFFFFF0  }
0x74: {  	_ =	swait.ge [sflag:s28], $0x4000  }
0x75: {  	[sflag:s28] =	ssyncset.done $0x0  }
0x76: {  	s9 =	sxor.u32 $0xFFFFFFFF, s9;
	[sflag:s28] =	ssyncadd.s32 $0xFFFFC000  }
0x77: {  	[spmem:s3] =	stream.indirect.scatter.add.f32 [tilespmem:s23], [sflag:$0x2], $0x1, s0, s26, $0xb8;
	[tilespmem:$0x1EB00] =	vst v63  }
.Ltmp1:
0x78: {  	_ = 	snop;
	(pc) =	sbr.rel @p1 .LBB2_4-.Ltmp1, $4  }
0x79: {  	s9 =	sand.u32 $0x4000, s9  }
0x7a: {  	s9 =	sadd.s32 $0x16A80, s9  }
0x7b: {  	[tilespmem:s9], [sflag:$0x1] =	stream.indirect.gather [hbm4b:s5+s26], $0x80, s6, s26, $0xb8;
	[tilespmem:$0x1EB00] =	vst v63  }
0x7c: {  	_ =	swait.ge [sflag:s29], $0x10  }
0x7d: {  	[sflag:s29] =	ssyncset.done $0x0  }
0x7e: {  	[sflag:s29] =	ssyncadd.s32 $0xFFFFFFF0  }
0x7f: {  	_ =	swait.ge [sflag:s28], $0x4000  }
0x80: {  	[sflag:s28] =	ssyncset.done $0x0  }
0x81: {  	[sflag:s28] =	ssyncadd.s32 $0xFFFFC000  }
0x82: {  	[spmem:s3] =	stream.indirect.scatter.add.f32 [tilespmem:s23], [sflag:$0x2], $0x1, s30, s26, $0xb8;
	[tilespmem:$0x1EB00] =	vst v63  }
0x83: {  	_ =	swait.ge [sflag:s29], $0x10  }
0x84: {  	[sflag:s29] =	ssyncset.done $0x0  }
0x85: {  	[sflag:s29] =	ssyncadd.s32 $0xFFFFFFF0  }
0x86: {  	s0 =	simm.s32 @!p0 $0x3;
	[bflag:$0x0] =	sbarrier.arrive $0xFFFF  }
0x87: {  	[hbm:s14], [sflag:s1] =	dma.local @!p0 [spmem:s25], $0x3E80  }
0x88: {  	s2 =	sadd.s32 $0x1, s2;
	_ =	swait.ge @!p0 [sflag:s0], $0x3E80  }
0x89: {  	s9 =	simm.s32 $0x20;
	p1 =	sne.s32 s2, s16;
	[sflag:s0] =	ssyncset.done @!p0 $0x0  }
.Ltmp2:
0x8a: {  	s6 =	simm.s32 $0x10;
	[sflag:s0] =	ssyncadd.s32 @!p0 $0xFFFFC180;
	(pc) =	sbr.rel @p1 .LBB2_1-.Ltmp2, $4  }
0x8b: {  	[hbm:s15@s9], [sflag:s1] =	dma.strided [spmem:s31@s6], $0x50, s28, $0x10   }
0x8c: {  	_ =	swait.ge [sflag:s22], $0x50  }
0x8d: {  	[sflag:s22] =	ssyncset.done $0x0  }
0x8e: {  	[sflag:s22] =	ssyncadd.s32 $0xFFFFFFB0  }
0x8f: {  	_ =	sfence.sel $0x180000  }
0x90: {  	[bflag:$0x0] =	sbarrier.arrive $0xFFFF  }
0x91: {  	_ =	strace $0x9000004A  }
0x92: {  	s0 =	stileid.u32;
	[bflag:$0x2] =	sbarrier.arrive $0xFFFF  }
0x93: {  	p0 =	sne.s32 s0, $0x0;
	s0 =	rddreg [dreg:$0x4]  }
0x94: {  	s0 =	sadd.s32 @!p0 $0x100000, s0  }
0x95: {  	[sflag:s0] =	ssyncadd.tile.s32 @!p0 $0x1;
	_ =	shalt  }
.Lfunc_end2:
_tile_overlayer_lowered:
.L_overlay_start_2:
0x96: {  	(tag) =	ssettag $0x2  }
0x97: {  	s0 =	rddreg [dreg:$0x0];
	s2 =	stileid.u32  }
0x98: {  	s1 =	rddreg [dreg:$0x1];
	p0 =	sne.s32 s2, $0x0  }
0x99: {  	s3 =	rddreg [dreg:$0x2];
	[bflag:$0x3] =	sbarrier.arrive $0xFFFF;
	s2 =	simm.s32 @!p0 $0x1C03  }
0x9a: {  	[timem:s3], [sflag:s2] =	dma.local @!p0 [hbm:s0], s1  }
0x9b: {  	s0 =	simm.s32 @!p0 $0x3  }
0x9c: {  	_ =	swait.ge @!p0 [sflag:s0], s1  }
0x9d: {  	s1 =	ssub.s32 @!p0 $0x0, s1;
	[sflag:s0] =	ssyncset.done @!p0 $0x0  }
0x9e: {  	[sflag:s0] =	ssyncadd.s32 @!p0 s1  }
0x9f: {  	[bflag:$0x3] =	sbarrier.arrive $0xFFFF  }
0xa0: {  	_ =	shalt  }

</sc_bundles>
